<compile_context>
chip_gen: v7x
topology: tpu7x:2x2x1
jax: 0.10.2.dev20260603
libtpu: 0.0.44.dev20260713+nightly
codegen_flags: <defaults>
</compile_context>

<pallas_src>
import functools

import jax
import jax.numpy as jnp
from jax import lax
from jax.experimental import pallas as pl
from jax.experimental.pallas import tpu as pltpu
from jax.experimental.pallas import tpu_sc as plsc

_N = 10000
_NP = 10240
_E = 320000
_B = 16
_H = 32
_K = 64
_NC = 2
_NS = 16
_NW = _NC * _NS
_CHUNK = 128
_CPT = 80
_EPAD = _NW * _CPT * _CHUNK
_RPT = _NP // _NS
_F32 = jnp.float32

_mesh = plsc.VectorSubcoreMesh(core_axis_name="c", subcore_axis_name="s")


def _make_deg():
    scr = [
        pltpu.VMEM((_CPT, _CHUNK), jnp.int32),
        pltpu.VMEM((_CHUNK, 16), _F32),
        pltpu.VMEM((_CHUNK, 16), _F32),
        pltpu.VMEM_SHARED((_NP, 16), _F32),
        pltpu.SemaphoreType.DMA,
    ]

    def body(dst_hbm, ones_hbm, zer_hbm, out_hbm, dst_v, ones_v, zbuf, acc,
             sem):
        del sem
        cid = lax.axis_index("c")
        sid = lax.axis_index("s")
        wid = sid * _NC + cid
        base = sid * _RPT
        pltpu.sync_copy(ones_hbm, ones_v)
        pltpu.sync_copy(zer_hbm, zbuf)
        for r in range(_RPT // _CHUNK):
            pltpu.sync_copy(zbuf, acc.at[pl.ds(base + r * _CHUNK, _CHUNK)])
        pltpu.sync_copy(dst_hbm.at[pl.ds(wid * _CPT, _CPT)], dst_v)
        plsc.subcore_barrier()

        def loop(j, carry):
            pltpu.sync_copy(ones_v, acc.at[dst_v.at[j]], add=True)
            return carry

        lax.fori_loop(0, _CPT, loop, 0)
        plsc.subcore_barrier()
        pltpu.sync_copy(acc.at[pl.ds(base, _RPT)],
                        out_hbm.at[pl.ds(cid * _NP + base, _RPT)])

    return pl.kernel(
        body,
        out_type=jax.ShapeDtypeStruct((2 * _NP, 16), _F32),
        mesh=_mesh,
        scratch_types=scr,
        compiler_params=pltpu.CompilerParams(use_tc_tiling_on_sc=False),
    )


_NBUF = 4


def _make_push(F):
    scr = (
        [pltpu.VMEM((_CPT, _CHUNK), jnp.int32),
         pltpu.VMEM((_CPT, _CHUNK), jnp.int32)]
        + [pltpu.VMEM((_CHUNK, F), _F32) for _ in range(_NBUF)]
        + [pltpu.VMEM_SHARED((_NP, F), _F32)]
        + [pltpu.SemaphoreType.DMA for _ in range(_NBUF)]
    )

    def body(x_hbm, src_hbm, dst_hbm, zer_hbm, out_hbm,
             src_v, dst_v, b0, b1, b2, b3, acc, s0, s1, s2, s3):
        bufs = (b0, b1, b2, b3)
        sems = (s0, s1, s2, s3)
        cid = lax.axis_index("c")
        sid = lax.axis_index("s")
        wid = sid * _NC + cid
        base = sid * _RPT
        pltpu.sync_copy(zer_hbm, b0)
        for r in range(_RPT // _CHUNK):
            pltpu.sync_copy(b0, acc.at[pl.ds(base + r * _CHUNK, _CHUNK)])
        pltpu.sync_copy(src_hbm.at[pl.ds(wid * _CPT, _CPT)], src_v)
        pltpu.sync_copy(dst_hbm.at[pl.ds(wid * _CPT, _CPT)], dst_v)
        plsc.subcore_barrier()
        for b in range(_NBUF):
            pltpu.async_copy(x_hbm.at[src_v.at[b]], bufs[b], sems[b])

        def loop(i, carry):
            j0 = i * _NBUF
            for b in range(_NBUF):
                j = j0 + b
                pltpu.make_async_copy(x_hbm.at[src_v.at[j]], bufs[b],
                                      sems[b]).wait()
                pltpu.sync_copy(bufs[b], acc.at[dst_v.at[j]], add=True)

                @pl.when(j + _NBUF < _CPT)
                def _start():
                    pltpu.async_copy(x_hbm.at[src_v.at[j + _NBUF]], bufs[b],
                                     sems[b])
            return carry

        lax.fori_loop(0, _CPT // _NBUF, loop, 0)
        plsc.subcore_barrier()
        pltpu.sync_copy(acc.at[pl.ds(base, _RPT)],
                        out_hbm.at[pl.ds(cid * _NP + base, _RPT)])

    return pl.kernel(
        body,
        out_type=jax.ShapeDtypeStruct((2 * _NP, F), _F32),
        mesh=_mesh,
        scratch_types=scr,
        compiler_params=pltpu.CompilerParams(use_tc_tiling_on_sc=False),
    )


_sc_deg = _make_deg()
_sc_push16 = _make_push(16)
_sc_push32 = _make_push(32)

_RB = 2000


def _prep(c0, c1, fc1_W, fdT, fc1_b2):
    def body(c0r, c1r, wr, fr, br, xs0r, dvr):
        deg = c0r[...] + c1r[...] + 1.0
        dv = lax.rsqrt(deg)
        x0 = lax.dot_general(wr[...], fr[...], (((1,), (0,)), ((), ())),
                             precision=lax.Precision.HIGHEST,
                             preferred_element_type=_F32) + br[...]
        xs0r[...] = x0 * dv
        dvr[...] = dv

    return pl.pallas_call(
        body,
        grid=(_N // _RB,),
        in_specs=[
            pl.BlockSpec((_RB, 1), lambda i: (i, 0)),
            pl.BlockSpec((_RB, 1), lambda i: (i, 0)),
            pl.BlockSpec((_RB, 512), lambda i: (i, 0)),
            pl.BlockSpec((512, _B), lambda i: (0, 0)),
            pl.BlockSpec((_RB, 1), lambda i: (i, 0)),
        ],
        out_specs=[
            pl.BlockSpec((_RB, _B), lambda i: (i, 0)),
            pl.BlockSpec((_RB, 1), lambda i: (i, 0)),
        ],
        out_shape=[
            jax.ShapeDtypeStruct((_N, _B), _F32),
            jax.ShapeDtypeStruct((_N, 1), _F32),
        ],
    )(c0, c1, fc1_W, fdT, fc1_b2)


def _mid(z0a, z0b, xs0, dinv):
    def body(ar, br, xr, dr, pref, psref):
        dv = dr[...]
        agg0 = dv * (ar[...] + br[...] + xr[...])
        p = jnp.maximum(agg0, 0.0)
        m = jnp.minimum(agg0, 0.0)
        pc = jnp.concatenate([p, m], axis=1)
        pref[...] = pc
        psref[...] = pc * dv

    return pl.pallas_call(
        body,
        grid=(_N // _RB,),
        in_specs=[
            pl.BlockSpec((_RB, _B), lambda i: (i, 0)),
            pl.BlockSpec((_RB, _B), lambda i: (i, 0)),
            pl.BlockSpec((_RB, _B), lambda i: (i, 0)),
            pl.BlockSpec((_RB, 1), lambda i: (i, 0)),
        ],
        out_specs=[
            pl.BlockSpec((_RB, 2 * _B), lambda i: (i, 0)),
            pl.BlockSpec((_RB, 2 * _B), lambda i: (i, 0)),
        ],
        out_shape=[
            jax.ShapeDtypeStruct((_N, 2 * _B), _F32),
            jax.ShapeDtypeStruct((_N, 2 * _B), _F32),
        ],
    )(z0a, z0b, xs0, dinv)


def _qprep(z1a, z1b, ps, dinv):
    def body(ar, br, pr, dr, qref):
        qref[...] = dr[...] * (ar[...] + br[...] + pr[...])

    return pl.pallas_call(
        body,
        grid=(_N // _RB,),
        in_specs=[
            pl.BlockSpec((_RB, 2 * _B), lambda i: (i, 0)),
            pl.BlockSpec((_RB, 2 * _B), lambda i: (i, 0)),
            pl.BlockSpec((_RB, 2 * _B), lambda i: (i, 0)),
            pl.BlockSpec((_RB, 1), lambda i: (i, 0)),
        ],
        out_specs=pl.BlockSpec((_RB, 2 * _B), lambda i: (i, 0)),
        out_shape=jax.ShapeDtypeStruct((_N, 2 * _B), _F32),
    )(z1a, z1b, ps, dinv)


def _attn(Q, P, wc0, wc1, cb, s2p, s2m, nqb, wpe, wme, oe, ckw, ckb, cq,
          clsw, clsb):
    def body(qr, prf, wc0r, wc1r, cbr, s2pr, s2mr, nqbr, wper, wmer, oer,
             ckwr, ckbr, cqr, clswr, clsbr, outr):
        b = pl.program_id(0)
        Qm = qr[...]
        Pm = prf[...]
        lane = lax.broadcasted_iota(jnp.int32, (1, 2 * _B), 1)
        selp = (lane == b).astype(_F32)
        selm = (lane == b + _B).astype(_F32)
        qp = jnp.sum(Qm * selp, axis=1, keepdims=True)
        qm = jnp.sum(Qm * selm, axis=1, keepdims=True)
        pp = jnp.sum(Pm * selp, axis=1, keepdims=True)
        pm = jnp.sum(Pm * selm, axis=1, keepdims=True)

        logits = qp * wc0r[...] + qm * wc1r[...] + cbr[...]
        mx = jnp.max(logits, axis=1, keepdims=True)
        e = jnp.exp(logits - mx)
        ca = e / jnp.sum(e, axis=1, keepdims=True)

        ns = (pp * s2pr[...] + pm * s2mr[...] + nqbr[...]) * ca
        cmax = jnp.max(ns, axis=0, keepdims=True)
        en = jnp.exp(ns - cmax)
        x1e = pp * wper[...] + pm * wmer[...] + oer[...]
        red = lax.dot_general(en, x1e, (((0,), (0,)), ((), ())),
                              precision=lax.Precision.HIGHEST,
                              preferred_element_type=_F32)
        comm_emb = red[:, :_H] / red[:, _H:_H + 1]
        ck = lax.dot_general(comm_emb, ckwr[...], (((1,), (0,)), ((), ())),
                             precision=lax.Precision.HIGHEST,
                             preferred_element_type=_F32) + ckbr[...]
        cs = lax.dot_general(ck, cqr[...], (((1,), (0,)), ((), ())),
                             precision=lax.Precision.HIGHEST,
                             preferred_element_type=_F32)
        cmx2 = jnp.max(cs, axis=0, keepdims=True)
        ce = jnp.exp(cs - cmx2)
        cattn = ce / jnp.sum(ce, axis=0, keepdims=True)
        gp = lax.dot_general(comm_emb, clswr[...], (((1,), (0,)), ((), ())),
                             precision=lax.Precision.HIGHEST,
                             preferred_element_type=_F32)
        pr = jnp.sum(cattn * gp) + clsbr[0, 0]
        outr[...] = jnp.full((1, 8, 128), pr, _F32)

    full = lambda i: (0, 0)
    return pl.pallas_call(
        body,
        grid=(_B,),
        in_specs=[
            pl.BlockSpec((_N, 2 * _B), full),
            pl.BlockSpec((_N, 2 * _B), full),
            pl.BlockSpec((1, _K), full),
            pl.BlockSpec((1, _K), full),
            pl.BlockSpec((1, _K), full),
            pl.BlockSpec((1, _K), full),
            pl.BlockSpec((1, _K), full),
            pl.BlockSpec((1, _K), full),
            pl.BlockSpec((1, _H + 1), full),
            pl.BlockSpec((1, _H + 1), full),
            pl.BlockSpec((1, _H + 1), full),
            pl.BlockSpec((_H, _H), full),
            pl.BlockSpec((1, _H), full),
            pl.BlockSpec((_H, 1), full),
            pl.BlockSpec((_H, 1), full),
            pl.BlockSpec((1, 1), full),
        ],
        out_specs=pl.BlockSpec((1, 8, 128), lambda i: (i, 0, 0)),
        out_shape=jax.ShapeDtypeStruct((_B, 8, 128), _F32),
    )(Q, P, wc0, wc1, cb, s2p, s2m, nqb, wpe, wme, oe, ckw, ckb, cq, clsw,
      clsb)


def kernel(feature_data, fc1_W, fc1_b, conv1_W, conv1_b, comm_W, comm_b,
           node_query, node_key_W, node_key_b, comm_query, comm_key_W,
           comm_key_b, cls_W, cls_b, edge_index, batch):
    del conv1_b, batch
    f32 = _F32
    pad = jnp.full((_EPAD - _E,), _NP - 1, jnp.int32)
    src2d = jnp.concatenate([edge_index[0], pad]).reshape(_NW * _CPT, _CHUNK)
    dst2d = jnp.concatenate([edge_index[1], pad]).reshape(_NW * _CPT, _CHUNK)
    ones16 = jnp.ones((_CHUNK, 16), f32)
    zer16 = jnp.zeros((_CHUNK, 16), f32)
    zer32 = jnp.zeros((_CHUNK, 32), f32)

    cntraw = _sc_deg(dst2d, ones16, zer16)
    c0 = cntraw[:_N, :1]
    c1 = cntraw[_NP:_NP + _N, :1]

    xs0, dinv = _prep(c0, c1, fc1_W, feature_data.T,
                      fc1_b.reshape(_N, 1))
    xs0p = jnp.pad(xs0, ((0, _NP - _N), (0, 0)))
    z0raw = _sc_push16(xs0p, src2d, dst2d, zer16)
    P, Ps = _mid(z0raw[:_N], z0raw[_NP:_NP + _N], xs0, dinv)
    psp = jnp.pad(Ps, ((0, _NP - _N), (0, 0)))
    z1raw = _sc_push32(psp, src2d, dst2d, zer32)
    Q = _qprep(z1raw[:_N], z1raw[_NP:_NP + _N], Ps, dinv)

    w = conv1_W.reshape(1, _H)
    wp = jnp.maximum(w, 0.0)
    wm = jnp.minimum(w, 0.0)
    wc0 = wp @ comm_W
    wc1 = wm @ comm_W
    t2t = node_key_W @ node_query.T
    s2p = wp @ t2t
    s2m = wm @ t2t
    nqb = (node_query @ node_key_b).reshape(1, _K)
    cbr = comm_b.reshape(1, _K)
    z1 = jnp.zeros((1, 1), f32)
    wpe = jnp.concatenate([wp, z1], axis=1)
    wme = jnp.concatenate([wm, z1], axis=1)
    oe = jnp.concatenate([jnp.zeros((1, _H), f32), jnp.ones((1, 1), f32)],
                         axis=1)

    outs = _attn(Q, P, wc0, wc1, cbr, s2p, s2m, nqb, wpe, wme, oe,
                 comm_key_W, comm_key_b.reshape(1, _H),
                 comm_query.reshape(_H, 1), cls_W, cls_b.reshape(1, 1))
    return outs[:, 0, 0].reshape(_B, 1, 1)

# --- scband reference (transcript-rebuilt; emitter-appended) ---
"""Pipeline reference for scband-ontology-nnc-7945689497636 (READ-ONLY COPY).

The authoritative reference and input builder live on the scoring server;
editing this copy changes nothing except your own understanding.
"""

import jax, jax.numpy as jnp
import numpy as np

N_NODES = 10000
N_FEAT = 512
E = 320000
B = 16
K = 64
H = 32

def setup_inputs(seed: int = 0) -> dict:
    key = jax.random.key(seed)
    ks = jax.random.split(key, 16)
    feature_data = jax.random.normal(ks[0], (B, N_FEAT), dtype=jnp.float32)
    edge_index = jax.random.randint(ks[1], (2, E), 0, N_NODES, dtype=jnp.int32)
    batch = jnp.zeros((N_NODES,), dtype=jnp.int32)
    adj_mask = (jax.random.uniform(ks[2], (N_NODES, N_FEAT)) < 0.1).astype(jnp.float32)
    fc1_W = jax.random.normal(ks[3], (N_NODES, N_FEAT), dtype=jnp.float32) * 0.02 * adj_mask
    fc1_b = jnp.zeros((N_NODES,), dtype=jnp.float32)
    conv1_W = jax.random.normal(ks[4], (1, H), dtype=jnp.float32) * 0.5
    conv1_b = jnp.zeros((H,), dtype=jnp.float32)
    comm_W = jax.random.normal(ks[5], (H, K), dtype=jnp.float32) * 0.1
    comm_b = jnp.zeros((K,), dtype=jnp.float32)
    node_query = jax.random.normal(ks[6], (K, H), dtype=jnp.float32)
    node_key_W = jax.random.normal(ks[7], (H, H), dtype=jnp.float32) * 0.1
    node_key_b = jnp.zeros((H,), dtype=jnp.float32)
    comm_query = jax.random.normal(ks[8], (H,), dtype=jnp.float32)
    comm_key_W = jax.random.normal(ks[9], (H, H), dtype=jnp.float32) * 0.1
    comm_key_b = jnp.zeros((H,), dtype=jnp.float32)
    cls_W = jax.random.normal(ks[10], (H, 1), dtype=jnp.float32) * 0.1
    cls_b = jnp.zeros((1,), dtype=jnp.float32)
    return {"feature_data": feature_data, "fc1_W": fc1_W, "fc1_b": fc1_b,
            "conv1_W": conv1_W, "conv1_b": conv1_b, "comm_W": comm_W, "comm_b": comm_b,
            "node_query": node_query, "node_key_W": node_key_W, "node_key_b": node_key_b,
            "comm_query": comm_query, "comm_key_W": comm_key_W, "comm_key_b": comm_key_b,
            "cls_W": cls_W, "cls_b": cls_b, "edge_index": edge_index, "batch": batch}


def _forward(feature_data, fc1_W, fc1_b, conv1_W, conv1_b, comm_W, comm_b,
             node_query, node_key_W, node_key_b, comm_query, comm_key_W, comm_key_b,
             cls_W, cls_b, edge_index):
    N = fc1_W.shape[0]
    self_loops = jnp.arange(N, dtype=edge_index.dtype)
    src = jnp.concatenate([edge_index[0], self_loops])
    dst = jnp.concatenate([edge_index[1], self_loops])
    deg = jax.ops.segment_sum(jnp.ones(src.shape[0], dtype=jnp.float32), dst, num_segments=N)
    dinv = jnp.where(deg > 0, 1.0 / jnp.sqrt(deg), 0.0)
    norm = dinv[src] * dinv[dst]

    def gcn(x, W, b):
        h = x @ W
        msg = h[src] * norm[:, None]
        return jax.ops.segment_sum(msg, dst, num_segments=N) + b

    def per_sample(s):
        # fc1 (ontology-masked linear); each node gets a scalar feature
        x0 = fc1_W @ s + fc1_b            # [N]
        x = x0[:, None]                   # [N, 1]
        # GNNEncoder: single GCN layer + relu (dropout = identity at eval)
        x1 = jax.nn.relu(gcn(x, conv1_W, conv1_b))   # [N, H]
        # CommunityAwareAttention (single graph, batch all zeros)
        comm_logits = gcn(x1, comm_W, comm_b)        # [N, K]
        comm_assign = jax.nn.softmax(comm_logits, axis=-1)
        keys = x1 @ node_key_W + node_key_b          # [N, H]
        node_scores = node_query @ keys.T            # [K, N]
        node_scores = node_scores * comm_assign.T    # [K, N]
        node_attn = jax.nn.softmax(node_scores, axis=1)
        comm_emb = node_attn @ x1                    # [K, H]
        comm_keys = comm_emb @ comm_key_W + comm_key_b
        comm_scores = comm_keys @ comm_query         # [K]
        comm_attn = jax.nn.softmax(comm_scores, axis=0)
        graph_emb = comm_attn @ comm_emb             # [H]
        pr = graph_emb @ cls_W + cls_b               # [out_channels]
        return pr[None, :]                           # [1, out_channels]

    return jax.vmap(per_sample)(feature_data)        # [B, 1, out_channels]


def reference(feature_data, fc1_W, fc1_b, conv1_W, conv1_b, comm_W, comm_b,
              node_query, node_key_W, node_key_b, comm_query, comm_key_W, comm_key_b,
              cls_W, cls_b, edge_index, batch):
    return _forward(feature_data, fc1_W, fc1_b, conv1_W, conv1_b, comm_W, comm_b,
                    node_query, node_key_W, node_key_b, comm_query, comm_key_W, comm_key_b,
                    cls_W, cls_b, edge_index)

if __name__ == "__main__":
    import jax
    _d = setup_inputs()
    print(jax.jit(kernel)(*tuple(_d.values())))

</pallas_src>

<mosaic_0001>
#map = affine_map<(d0, d1) -> (0, 0)>
module attributes {stable_mosaic.version = 14 : i64} {
  func.func @body(%arg0: i32, %arg1: i32, %arg2: memref<2560x128xi32, #tpu.memory_space<hbm>>, %arg3: memref<128x16xf32, #tpu.memory_space<hbm>>, %arg4: memref<128x16xf32, #tpu.memory_space<hbm>>, %arg5: memref<20480x16xf32, #tpu.memory_space<hbm>>, %arg6: memref<80x128xi32, #tpu.memory_space<vmem>>, %arg7: memref<128x16xf32, #tpu.memory_space<vmem>>, %arg8: memref<128x16xf32, #tpu.memory_space<vmem>>, %arg9: memref<10240x16xf32, #tpu.memory_space<vmem_shared>>, %arg10: memref<!tpu.dma_semaphore, #tpu.memory_space<semaphore_mem>>) attributes {dimension_semantics = [#tpu.dimension_semantics<core_parallel>, #tpu.dimension_semantics<subcore_parallel>], iteration_bounds = array<i64: 2, 16>, scalar_prefetch = 0 : i64, scratch_operands = 5 : i64, tpu.core_type = #tpu.core_type<sc_vector_subcore>, window_params = [{transform_indices = #map}, {transform_indices = #map}, {transform_indices = #map}, {transform_indices = #map}]} {
    %mul3A = arith.constant 2 : i32
    %mul3A_0 = arith.muli %arg1, %mul3A : i32
    %add3A = arith.addi %mul3A_0, %arg0 : i32
    %mul3A_1 = arith.constant 640 : i32
    %mul3A_2 = arith.muli %arg1, %mul3A_1 : i32
    "tpu.region"() ({
      %run_scoped3A = tpu.sem_alloc : memref<!tpu.dma_semaphore, #tpu.memory_space<semaphore_mem>>
      tpu.enqueue_dma source(%arg3 : memref<128x16xf32, #tpu.memory_space<hbm>>) target(%arg7 : memref<128x16xf32, #tpu.memory_space<vmem>>) target_semaphore(%run_scoped3A : memref<!tpu.dma_semaphore, #tpu.memory_space<semaphore_mem>>)
      tpu.wait_dma2 semaphore(%run_scoped3A : memref<!tpu.dma_semaphore, #tpu.memory_space<semaphore_mem>>) src(%arg3 : memref<128x16xf32, #tpu.memory_space<hbm>>) dst(%arg7 : memref<128x16xf32, #tpu.memory_space<vmem>>)
      tpu.yield
    }) : () -> ()
    "tpu.region"() ({
      %run_scoped3A = tpu.sem_alloc : memref<!tpu.dma_semaphore, #tpu.memory_space<semaphore_mem>>
      tpu.enqueue_dma source(%arg4 : memref<128x16xf32, #tpu.memory_space<hbm>>) target(%arg8 : memref<128x16xf32, #tpu.memory_space<vmem>>) target_semaphore(%run_scoped3A : memref<!tpu.dma_semaphore, #tpu.memory_space<semaphore_mem>>)
      tpu.wait_dma2 semaphore(%run_scoped3A : memref<!tpu.dma_semaphore, #tpu.memory_space<semaphore_mem>>) src(%arg4 : memref<128x16xf32, #tpu.memory_space<hbm>>) dst(%arg8 : memref<128x16xf32, #tpu.memory_space<vmem>>)
      tpu.yield
    }) : () -> ()
    %add3A_3 = arith.constant 0 : i32
    %add3A_4 = arith.addi %mul3A_2, %add3A_3 : i32
    "tpu.region"() ({
      %run_scoped3A = tpu.sem_alloc : memref<!tpu.dma_semaphore, #tpu.memory_space<semaphore_mem>>
      %dma_start3A = arith.constant 0 : i32
      %dma_start3A_24 = tpu.memref_slice %arg9[%add3A_4, %dma_start3A] : memref<10240x16xf32, #tpu.memory_space<vmem_shared>> -> memref<128x16xf32, #tpu.memory_space<vmem_shared>>
      %dma_start3A_25 = arith.constant 0 : i32
      %dma_start3A_26 = tpu.memref_slice %arg9[%add3A_4, %dma_start3A_25] : memref<10240x16xf32, #tpu.memory_space<vmem_shared>> -> memref<128x16xf32, #tpu.memory_space<vmem_shared>>
      tpu.enqueue_dma source(%arg8 : memref<128x16xf32, #tpu.memory_space<vmem>>) target(%dma_start3A_26 : memref<128x16xf32, #tpu.memory_space<vmem_shared>>) target_semaphore(%run_scoped3A : memref<!tpu.dma_semaphore, #tpu.memory_space<semaphore_mem>>)
      %dma_wait3A = arith.constant 0 : i32
      %dma_wait3A_27 = tpu.memref_slice %arg9[%add3A_4, %dma_wait3A] : memref<10240x16xf32, #tpu.memory_space<vmem_shared>> -> memref<128x16xf32, #tpu.memory_space<vmem_shared>>
      %dma_wait3A_28 = arith.constant 0 : i32
      %dma_wait3A_29 = tpu.memref_slice %arg9[%add3A_4, %dma_wait3A_28] : memref<10240x16xf32, #tpu.memory_space<vmem_shared>> -> memref<128x16xf32, #tpu.memory_space<vmem_shared>>
      tpu.wait_dma2 semaphore(%run_scoped3A : memref<!tpu.dma_semaphore, #tpu.memory_space<semaphore_mem>>) src(%arg8 : memref<128x16xf32, #tpu.memory_space<vmem>>) dst(%dma_wait3A_29 : memref<128x16xf32, #tpu.memory_space<vmem_shared>>)
      tpu.yield
    }) : () -> ()
    %add3A_5 = arith.constant 128 : i32
    %add3A_6 = arith.addi %mul3A_2, %add3A_5 : i32
    "tpu.region"() ({
      %run_scoped3A = tpu.sem_alloc : memref<!tpu.dma_semaphore, #tpu.memory_space<semaphore_mem>>
      %dma_start3A = arith.constant 0 : i32
      %dma_start3A_24 = tpu.memref_slice %arg9[%add3A_6, %dma_start3A] : memref<10240x16xf32, #tpu.memory_space<vmem_shared>> -> memref<128x16xf32, #tpu.memory_space<vmem_shared>>
      %dma_start3A_25 = arith.constant 0 : i32
      %dma_start3A_26 = tpu.memref_slice %arg9[%add3A_6, %dma_start3A_25] : memref<10240x16xf32, #tpu.memory_space<vmem_shared>> -> memref<128x16xf32, #tpu.memory_space<vmem_shared>>
      tpu.enqueue_dma source(%arg8 : memref<128x16xf32, #tpu.memory_space<vmem>>) target(%dma_start3A_26 : memref<128x16xf32, #tpu.memory_space<vmem_shared>>) target_semaphore(%run_scoped3A : memref<!tpu.dma_semaphore, #tpu.memory_space<semaphore_mem>>)
      %dma_wait3A = arith.constant 0 : i32
      %dma_wait3A_27 = tpu.memref_slice %arg9[%add3A_6, %dma_wait3A] : memref<10240x16xf32, #tpu.memory_space<vmem_shared>> -> memref<128x16xf32, #tpu.memory_space<vmem_shared>>
      %dma_wait3A_28 = arith.constant 0 : i32
      %dma_wait3A_29 = tpu.memref_slice %arg9[%add3A_6, %dma_wait3A_28] : memref<10240x16xf32, #tpu.memory_space<vmem_shared>> -> memref<128x16xf32, #tpu.memory_space<vmem_shared>>
      tpu.wait_dma2 semaphore(%run_scoped3A : memref<!tpu.dma_semaphore, #tpu.memory_space<semaphore_mem>>) src(%arg8 : memref<128x16xf32, #tpu.memory_space<vmem>>) dst(%dma_wait3A_29 : memref<128x16xf32, #tpu.memory_space<vmem_shared>>)
      tpu.yield
    }) : () -> ()
    %add3A_7 = arith.constant 256 : i32
    %add3A_8 = arith.addi %mul3A_2, %add3A_7 : i32
    "tpu.region"() ({
      %run_scoped3A = tpu.sem_alloc : memref<!tpu.dma_semaphore, #tpu.memory_space<semaphore_mem>>
      %dma_start3A = arith.constant 0 : i32
      %dma_start3A_24 = tpu.memref_slice %arg9[%add3A_8, %dma_start3A] : memref<10240x16xf32, #tpu.memory_space<vmem_shared>> -> memref<128x16xf32, #tpu.memory_space<vmem_shared>>
      %dma_start3A_25 = arith.constant 0 : i32
      %dma_start3A_26 = tpu.memref_slice %arg9[%add3A_8, %dma_start3A_25] : memref<10240x16xf32, #tpu.memory_space<vmem_shared>> -> memref<128x16xf32, #tpu.memory_space<vmem_shared>>
      tpu.enqueue_dma source(%arg8 : memref<128x16xf32, #tpu.memory_space<vmem>>) target(%dma_start3A_26 : memref<128x16xf32, #tpu.memory_space<vmem_shared>>) target_semaphore(%run_scoped3A : memref<!tpu.dma_semaphore, #tpu.memory_space<semaphore_mem>>)
      %dma_wait3A = arith.constant 0 : i32
      %dma_wait3A_27 = tpu.memref_slice %arg9[%add3A_8, %dma_wait3A] : memref<10240x16xf32, #tpu.memory_space<vmem_shared>> -> memref<128x16xf32, #tpu.memory_space<vmem_shared>>
      %dma_wait3A_28 = arith.constant 0 : i32
      %dma_wait3A_29 = tpu.memref_slice %arg9[%add3A_8, %dma_wait3A_28] : memref<10240x16xf32, #tpu.memory_space<vmem_shared>> -> memref<128x16xf32, #tpu.memory_space<vmem_shared>>
      tpu.wait_dma2 semaphore(%run_scoped3A : memref<!tpu.dma_semaphore, #tpu.memory_space<semaphore_mem>>) src(%arg8 : memref<128x16xf32, #tpu.memory_space<vmem>>) dst(%dma_wait3A_29 : memref<128x16xf32, #tpu.memory_space<vmem_shared>>)
      tpu.yield
    }) : () -> ()
    %add3A_9 = arith.constant 384 : i32
    %add3A_10 = arith.addi %mul3A_2, %add3A_9 : i32
    "tpu.region"() ({
      %run_scoped3A = tpu.sem_alloc : memref<!tpu.dma_semaphore, #tpu.memory_space<semaphore_mem>>
      %dma_start3A = arith.constant 0 : i32
      %dma_start3A_24 = tpu.memref_slice %arg9[%add3A_10, %dma_start3A] : memref<10240x16xf32, #tpu.memory_space<vmem_shared>> -> memref<128x16xf32, #tpu.memory_space<vmem_shared>>
      %dma_start3A_25 = arith.constant 0 : i32
      %dma_start3A_26 = tpu.memref_slice %arg9[%add3A_10, %dma_start3A_25] : memref<10240x16xf32, #tpu.memory_space<vmem_shared>> -> memref<128x16xf32, #tpu.memory_space<vmem_shared>>
      tpu.enqueue_dma source(%arg8 : memref<128x16xf32, #tpu.memory_space<vmem>>) target(%dma_start3A_26 : memref<128x16xf32, #tpu.memory_space<vmem_shared>>) target_semaphore(%run_scoped3A : memref<!tpu.dma_semaphore, #tpu.memory_space<semaphore_mem>>)
      %dma_wait3A = arith.constant 0 : i32
      %dma_wait3A_27 = tpu.memref_slice %arg9[%add3A_10, %dma_wait3A] : memref<10240x16xf32, #tpu.memory_space<vmem_shared>> -> memref<128x16xf32, #tpu.memory_space<vmem_shared>>
      %dma_wait3A_28 = arith.constant 0 : i32
      %dma_wait3A_29 = tpu.memref_slice %arg9[%add3A_10, %dma_wait3A_28] : memref<10240x16xf32, #tpu.memory_space<vmem_shared>> -> memref<128x16xf32, #tpu.memory_space<vmem_shared>>
      tpu.wait_dma2 semaphore(%run_scoped3A : memref<!tpu.dma_semaphore, #tpu.memory_space<semaphore_mem>>) src(%arg8 : memref<128x16xf32, #tpu.memory_space<vmem>>) dst(%dma_wait3A_29 : memref<128x16xf32, #tpu.memory_space<vmem_shared>>)
      tpu.yield
    }) : () -> ()
    %add3A_11 = arith.constant 512 : i32
    %add3A_12 = arith.addi %mul3A_2, %add3A_11 : i32
    "tpu.region"() ({
      %run_scoped3A = tpu.sem_alloc : memref<!tpu.dma_semaphore, #tpu.memory_space<semaphore_mem>>
      %dma_start3A = arith.constant 0 : i32
      %dma_start3A_24 = tpu.memref_slice %arg9[%add3A_12, %dma_start3A] : memref<10240x16xf32, #tpu.memory_space<vmem_shared>> -> memref<128x16xf32, #tpu.memory_space<vmem_shared>>
      %dma_start3A_25 = arith.constant 0 : i32
      %dma_start3A_26 = tpu.memref_slice %arg9[%add3A_12, %dma_start3A_25] : memref<10240x16xf32, #tpu.memory_space<vmem_shared>> -> memref<128x16xf32, #tpu.memory_space<vmem_shared>>
      tpu.enqueue_dma source(%arg8 : memref<128x16xf32, #tpu.memory_space<vmem>>) target(%dma_start3A_26 : memref<128x16xf32, #tpu.memory_space<vmem_shared>>) target_semaphore(%run_scoped3A : memref<!tpu.dma_semaphore, #tpu.memory_space<semaphore_mem>>)
      %dma_wait3A = arith.constant 0 : i32
      %dma_wait3A_27 = tpu.memref_slice %arg9[%add3A_12, %dma_wait3A] : memref<10240x16xf32, #tpu.memory_space<vmem_shared>> -> memref<128x16xf32, #tpu.memory_space<vmem_shared>>
      %dma_wait3A_28 = arith.constant 0 : i32
      %dma_wait3A_29 = tpu.memref_slice %arg9[%add3A_12, %dma_wait3A_28] : memref<10240x16xf32, #tpu.memory_space<vmem_shared>> -> memref<128x16xf32, #tpu.memory_space<vmem_shared>>
      tpu.wait_dma2 semaphore(%run_scoped3A : memref<!tpu.dma_semaphore, #tpu.memory_space<semaphore_mem>>) src(%arg8 : memref<128x16xf32, #tpu.memory_space<vmem>>) dst(%dma_wait3A_29 : memref<128x16xf32, #tpu.memory_space<vmem_shared>>)
      tpu.yield
    }) : () -> ()
    %mul3A_13 = arith.constant 80 : i32
    %mul3A_14 = arith.muli %add3A, %mul3A_13 : i32
    "tpu.region"() ({
      %run_scoped3A = tpu.sem_alloc : memref<!tpu.dma_semaphore, #tpu.memory_space<semaphore_mem>>
      %dma_start3A = arith.constant 0 : i32
      %dma_start3A_24 = tpu.memref_slice %arg2[%mul3A_14, %dma_start3A] : memref<2560x128xi32, #tpu.memory_space<hbm>> -> memref<80x128xi32, #tpu.memory_space<hbm>>
      %dma_start3A_25 = arith.constant 0 : i32
      %dma_start3A_26 = tpu.memref_slice %arg2[%mul3A_14, %dma_start3A_25] : memref<2560x128xi32, #tpu.memory_space<hbm>> -> memref<80x128xi32, #tpu.memory_space<hbm>>
      tpu.enqueue_dma source(%dma_start3A_26 : memref<80x128xi32, #tpu.memory_space<hbm>>) target(%arg6 : memref<80x128xi32, #tpu.memory_space<vmem>>) target_semaphore(%run_scoped3A : memref<!tpu.dma_semaphore, #tpu.memory_space<semaphore_mem>>)
      %dma_wait3A = arith.constant 0 : i32
      %dma_wait3A_27 = tpu.memref_slice %arg2[%mul3A_14, %dma_wait3A] : memref<2560x128xi32, #tpu.memory_space<hbm>> -> memref<80x128xi32, #tpu.memory_space<hbm>>
      %dma_wait3A_28 = arith.constant 0 : i32
      %dma_wait3A_29 = tpu.memref_slice %arg2[%mul3A_14, %dma_wait3A_28] : memref<2560x128xi32, #tpu.memory_space<hbm>> -> memref<80x128xi32, #tpu.memory_space<hbm>>
      tpu.wait_dma2 semaphore(%run_scoped3A : memref<!tpu.dma_semaphore, #tpu.memory_space<semaphore_mem>>) src(%dma_wait3A_29 : memref<80x128xi32, #tpu.memory_space<hbm>>) dst(%arg6 : memref<80x128xi32, #tpu.memory_space<vmem>>)
      tpu.yield
    }) : () -> ()
    %barrier3A = arith.constant 0 : index
    tpu.barrier barrier_id(%barrier3A)
    %scan3A = arith.constant 0 : i32
    %scan3A_15 = arith.constant 0 : i32
    %scan3A_16 = arith.constant 80 : i32
    %scan3A_17 = arith.addi %scan3A_15, %scan3A_16 : i32
    %scan3A_18 = arith.constant 1 : i32
    scf.for %scan3A_24 = %scan3A_15 to %scan3A_17 step %scan3A_18  : i32 {
      "tpu.region"() ({
        %run_scoped3A = tpu.sem_alloc : memref<!tpu.dma_semaphore, #tpu.memory_space<semaphore_mem>>
        %dma_start3A = arith.constant 0 : i32
        %dma_start3A_25 = tpu.memref_slice %arg6[%scan3A_24, %dma_start3A] : memref<80x128xi32, #tpu.memory_space<vmem>> -> memref<1x128xi32, #tpu.memory_space<vmem>>
        %dma_start3A_26 = tpu.memref_squeeze %dma_start3A_25 : memref<1x128xi32, #tpu.memory_space<vmem>> -> memref<128xi32, #tpu.memory_space<vmem>>
        %dma_start3A_27 = arith.constant 0 : i32
        %dma_start3A_28 = arith.constant 0 : i32
        %dma_start3A_29 = tpu.memref_slice %arg9[%dma_start3A_27, %dma_start3A_28] : memref<10240x16xf32, #tpu.memory_space<vmem_shared>> -> memref<10240x16xf32, #tpu.memory_space<vmem_shared>>
        tpu.enqueue_indirect_dma source(%arg7 : memref<128x16xf32, #tpu.memory_space<vmem>>) target(%dma_start3A_29 : memref<10240x16xf32, #tpu.memory_space<vmem_shared>>) offsets(%dma_start3A_26 : memref<128xi32, #tpu.memory_space<vmem>>) semaphore(%run_scoped3A : memref<!tpu.dma_semaphore, #tpu.memory_space<semaphore_mem>>) {add = true}
        %dma_wait3A = arith.constant 0 : i32
        %dma_wait3A_30 = tpu.memref_slice %arg6[%scan3A_24, %dma_wait3A] : memref<80x128xi32, #tpu.memory_space<vmem>> -> memref<1x128xi32, #tpu.memory_space<vmem>>
        %dma_wait3A_31 = tpu.memref_squeeze %dma_wait3A_30 : memref<1x128xi32, #tpu.memory_space<vmem>> -> memref<128xi32, #tpu.memory_space<vmem>>
        %dma_wait3A_32 = arith.constant 0 : i32
        %dma_wait3A_33 = arith.constant 0 : i32
        %dma_wait3A_34 = tpu.memref_slice %arg9[%dma_wait3A_32, %dma_wait3A_33] : memref<10240x16xf32, #tpu.memory_space<vmem_shared>> -> memref<10240x16xf32, #tpu.memory_space<vmem_shared>>
        tpu.wait_indirect_dma semaphore(%run_scoped3A : memref<!tpu.dma_semaphore, #tpu.memory_space<semaphore_mem>>) src(%arg7 : memref<128x16xf32, #tpu.memory_space<vmem>>) dst(%dma_wait3A_34 : memref<10240x16xf32, #tpu.memory_space<vmem_shared>>)
        tpu.yield
      }) : () -> ()
    }
    %scan3A_19 = arith.constant 80 : i32
    %barrier3A_20 = arith.constant 0 : index
    tpu.barrier barrier_id(%barrier3A_20)
    %mul3A_21 = arith.constant 10240 : i32
    %mul3A_22 = arith.muli %arg0, %mul3A_21 : i32
    %add3A_23 = arith.addi %mul3A_22, %mul3A_2 : i32
    "tpu.region"() ({
      %run_scoped3A = tpu.sem_alloc : memref<!tpu.dma_semaphore, #tpu.memory_space<semaphore_mem>>
      %dma_start3A = arith.constant 0 : i32
      %dma_start3A_24 = tpu.memref_slice %arg5[%add3A_23, %dma_start3A] : memref<20480x16xf32, #tpu.memory_space<hbm>> -> memref<640x16xf32, #tpu.memory_space<hbm>>
      %dma_start3A_25 = arith.constant 0 : i32
      %dma_start3A_26 = tpu.memref_slice %arg9[%mul3A_2, %dma_start3A_25] : memref<10240x16xf32, #tpu.memory_space<vmem_shared>> -> memref<640x16xf32, #tpu.memory_space<vmem_shared>>
      tpu.enqueue_dma source(%dma_start3A_26 : memref<640x16xf32, #tpu.memory_space<vmem_shared>>) target(%dma_start3A_24 : memref<640x16xf32, #tpu.memory_space<hbm>>) target_semaphore(%run_scoped3A : memref<!tpu.dma_semaphore, #tpu.memory_space<semaphore_mem>>)
      %dma_wait3A = arith.constant 0 : i32
      %dma_wait3A_27 = tpu.memref_slice %arg5[%add3A_23, %dma_wait3A] : memref<20480x16xf32, #tpu.memory_space<hbm>> -> memref<640x16xf32, #tpu.memory_space<hbm>>
      %dma_wait3A_28 = arith.constant 0 : i32
      %dma_wait3A_29 = tpu.memref_slice %arg9[%mul3A_2, %dma_wait3A_28] : memref<10240x16xf32, #tpu.memory_space<vmem_shared>> -> memref<640x16xf32, #tpu.memory_space<vmem_shared>>
      tpu.wait_dma2 semaphore(%run_scoped3A : memref<!tpu.dma_semaphore, #tpu.memory_space<semaphore_mem>>) src(%dma_wait3A_29 : memref<640x16xf32, #tpu.memory_space<vmem_shared>>) dst(%dma_wait3A_27 : memref<640x16xf32, #tpu.memory_space<hbm>>)
      tpu.yield
    }) : () -> ()
    return
  }
}

#map = affine_map<(d0, d1) -> (0, 0)>
module attributes {stable_mosaic.version = 14 : i64} {
  func.func @body(%arg0: i32, %arg1: i32, %arg2: memref<10240x32xf32, #tpu.memory_space<hbm>>, %arg3: memref<2560x128xi32, #tpu.memory_space<hbm>>, %arg4: memref<2560x128xi32, #tpu.memory_space<hbm>>, %arg5: memref<128x32xf32, #tpu.memory_space<hbm>>, %arg6: memref<20480x32xf32, #tpu.memory_space<hbm>>, %arg7: memref<80x128xi32, #tpu.memory_space<vmem>>, %arg8: memref<80x128xi32, #tpu.memory_space<vmem>>, %arg9: memref<128x32xf32, #tpu.memory_space<vmem>>, %arg10: memref<128x32xf32, #tpu.memory_space<vmem>>, %arg11: memref<128x32xf32, #tpu.memory_space<vmem>>, %arg12: memref<128x32xf32, #tpu.memory_space<vmem>>, %arg13: memref<10240x32xf32, #tpu.memory_space<vmem_shared>>, %arg14: memref<!tpu.dma_semaphore, #tpu.memory_space<semaphore_mem>>, %arg15: memref<!tpu.dma_semaphore, #tpu.memory_space<semaphore_mem>>, %arg16: memref<!tpu.dma_semaphore, #tpu.memory_space<semaphore_mem>>, %arg17: memref<!tpu.dma_semaphore, #tpu.memory_space<semaphore_mem>>) attributes {dimension_semantics = [#tpu.dimension_semantics<core_parallel>, #tpu.dimension_semantics<subcore_parallel>], iteration_bounds = array<i64: 2, 16>, scalar_prefetch = 0 : i64, scratch_operands = 11 : i64, tpu.core_type = #tpu.core_type<sc_vector_subcore>, window_params = [{transform_indices = #map}, {transform_indices = #map}, {transform_indices = #map}, {transform_indices = #map}, {transform_indices = #map}]} {
    %mul3A = arith.constant 2 : i32
    %mul3A_0 = arith.muli %arg1, %mul3A : i32
    %add3A = arith.addi %mul3A_0, %arg0 : i32
    %mul3A_1 = arith.constant 640 : i32
    %mul3A_2 = arith.muli %arg1, %mul3A_1 : i32
    "tpu.region"() ({
      %run_scoped3A = tpu.sem_alloc : memref<!tpu.dma_semaphore, #tpu.memory_space<semaphore_mem>>
      tpu.enqueue_dma source(%arg5 : memref<128x32xf32, #tpu.memory_space<hbm>>) target(%arg9 : memref<128x32xf32, #tpu.memory_space<vmem>>) target_semaphore(%run_scoped3A : memref<!tpu.dma_semaphore, #tpu.memory_space<semaphore_mem>>)
      tpu.wait_dma2 semaphore(%run_scoped3A : memref<!tpu.dma_semaphore, #tpu.memory_space<semaphore_mem>>) src(%arg5 : memref<128x32xf32, #tpu.memory_space<hbm>>) dst(%arg9 : memref<128x32xf32, #tpu.memory_space<vmem>>)
      tpu.yield
    }) : () -> ()
    %add3A_3 = arith.constant 0 : i32
    %add3A_4 = arith.addi %mul3A_2, %add3A_3 : i32
    "tpu.region"() ({
      %run_scoped3A = tpu.sem_alloc : memref<!tpu.dma_semaphore, #tpu.memory_space<semaphore_mem>>
      %dma_start3A_53 = arith.constant 0 : i32
      %dma_start3A_54 = tpu.memref_slice %arg13[%add3A_4, %dma_start3A_53] : memref<10240x32xf32, #tpu.memory_space<vmem_shared>> -> memref<128x32xf32, #tpu.memory_space<vmem_shared>>
      %dma_start3A_55 = arith.constant 0 : i32
      %dma_start3A_56 = tpu.memref_slice %arg13[%add3A_4, %dma_start3A_55] : memref<10240x32xf32, #tpu.memory_space<vmem_shared>> -> memref<128x32xf32, #tpu.memory_space<vmem_shared>>
      tpu.enqueue_dma source(%arg9 : memref<128x32xf32, #tpu.memory_space<vmem>>) target(%dma_start3A_56 : memref<128x32xf32, #tpu.memory_space<vmem_shared>>) target_semaphore(%run_scoped3A : memref<!tpu.dma_semaphore, #tpu.memory_space<semaphore_mem>>)
      %dma_wait3A = arith.constant 0 : i32
      %dma_wait3A_57 = tpu.memref_slice %arg13[%add3A_4, %dma_wait3A] : memref<10240x32xf32, #tpu.memory_space<vmem_shared>> -> memref<128x32xf32, #tpu.memory_space<vmem_shared>>
      %dma_wait3A_58 = arith.constant 0 : i32
      %dma_wait3A_59 = tpu.memref_slice %arg13[%add3A_4, %dma_wait3A_58] : memref<10240x32xf32, #tpu.memory_space<vmem_shared>> -> memref<128x32xf32, #tpu.memory_space<vmem_shared>>
      tpu.wait_dma2 semaphore(%run_scoped3A : memref<!tpu.dma_semaphore, #tpu.memory_space<semaphore_mem>>) src(%arg9 : memref<128x32xf32, #tpu.memory_space<vmem>>) dst(%dma_wait3A_59 : memref<128x32xf32, #tpu.memory_space<vmem_shared>>)
      tpu.yield
    }) : () -> ()
    %add3A_5 = arith.constant 128 : i32
    %add3A_6 = arith.addi %mul3A_2, %add3A_5 : i32
    "tpu.region"() ({
      %run_scoped3A = tpu.sem_alloc : memref<!tpu.dma_semaphore, #tpu.memory_space<semaphore_mem>>
      %dma_start3A_53 = arith.constant 0 : i32
      %dma_start3A_54 = tpu.memref_slice %arg13[%add3A_6, %dma_start3A_53] : memref<10240x32xf32, #tpu.memory_space<vmem_shared>> -> memref<128x32xf32, #tpu.memory_space<vmem_shared>>
      %dma_start3A_55 = arith.constant 0 : i32
      %dma_start3A_56 = tpu.memref_slice %arg13[%add3A_6, %dma_start3A_55] : memref<10240x32xf32, #tpu.memory_space<vmem_shared>> -> memref<128x32xf32, #tpu.memory_space<vmem_shared>>
      tpu.enqueue_dma source(%arg9 : memref<128x32xf32, #tpu.memory_space<vmem>>) target(%dma_start3A_56 : memref<128x32xf32, #tpu.memory_space<vmem_shared>>) target_semaphore(%run_scoped3A : memref<!tpu.dma_semaphore, #tpu.memory_space<semaphore_mem>>)
      %dma_wait3A = arith.constant 0 : i32
      %dma_wait3A_57 = tpu.memref_slice %arg13[%add3A_6, %dma_wait3A] : memref<10240x32xf32, #tpu.memory_space<vmem_shared>> -> memref<128x32xf32, #tpu.memory_space<vmem_shared>>
      %dma_wait3A_58 = arith.constant 0 : i32
      %dma_wait3A_59 = tpu.memref_slice %arg13[%add3A_6, %dma_wait3A_58] : memref<10240x32xf32, #tpu.memory_space<vmem_shared>> -> memref<128x32xf32, #tpu.memory_space<vmem_shared>>
      tpu.wait_dma2 semaphore(%run_scoped3A : memref<!tpu.dma_semaphore, #tpu.memory_space<semaphore_mem>>) src(%arg9 : memref<128x32xf32, #tpu.memory_space<vmem>>) dst(%dma_wait3A_59 : memref<128x32xf32, #tpu.memory_space<vmem_shared>>)
      tpu.yield
    }) : () -> ()
    %add3A_7 = arith.constant 256 : i32
    %add3A_8 = arith.addi %mul3A_2, %add3A_7 : i32
    "tpu.region"() ({
      %run_scoped3A = tpu.sem_alloc : memref<!tpu.dma_semaphore, #tpu.memory_space<semaphore_mem>>
      %dma_start3A_53 = arith.constant 0 : i32
      %dma_start3A_54 = tpu.memref_slice %arg13[%add3A_8, %dma_start3A_53] : memref<10240x32xf32, #tpu.memory_space<vmem_shared>> -> memref<128x32xf32, #tpu.memory_space<vmem_shared>>
      %dma_start3A_55 = arith.constant 0 : i32
      %dma_start3A_56 = tpu.memref_slice %arg13[%add3A_8, %dma_start3A_55] : memref<10240x32xf32, #tpu.memory_space<vmem_shared>> -> memref<128x32xf32, #tpu.memory_space<vmem_shared>>
      tpu.enqueue_dma source(%arg9 : memref<128x32xf32, #tpu.memory_space<vmem>>) target(%dma_start3A_56 : memref<128x32xf32, #tpu.memory_space<vmem_shared>>) target_semaphore(%run_scoped3A : memref<!tpu.dma_semaphore, #tpu.memory_space<semaphore_mem>>)
      %dma_wait3A = arith.constant 0 : i32
      %dma_wait3A_57 = tpu.memref_slice %arg13[%add3A_8, %dma_wait3A] : memref<10240x32xf32, #tpu.memory_space<vmem_shared>> -> memref<128x32xf32, #tpu.memory_space<vmem_shared>>
      %dma_wait3A_58 = arith.constant 0 : i32
      %dma_wait3A_59 = tpu.memref_slice %arg13[%add3A_8, %dma_wait3A_58] : memref<10240x32xf32, #tpu.memory_space<vmem_shared>> -> memref<128x32xf32, #tpu.memory_space<vmem_shared>>
      tpu.wait_dma2 semaphore(%run_scoped3A : memref<!tpu.dma_semaphore, #tpu.memory_space<semaphore_mem>>) src(%arg9 : memref<128x32xf32, #tpu.memory_space<vmem>>) dst(%dma_wait3A_59 : memref<128x32xf32, #tpu.memory_space<vmem_shared>>)
      tpu.yield
    }) : () -> ()
    %add3A_9 = arith.constant 384 : i32
    %add3A_10 = arith.addi %mul3A_2, %add3A_9 : i32
    "tpu.region"() ({
      %run_scoped3A = tpu.sem_alloc : memref<!tpu.dma_semaphore, #tpu.memory_space<semaphore_mem>>
      %dma_start3A_53 = arith.constant 0 : i32
      %dma_start3A_54 = tpu.memref_slice %arg13[%add3A_10, %dma_start3A_53] : memref<10240x32xf32, #tpu.memory_space<vmem_shared>> -> memref<128x32xf32, #tpu.memory_space<vmem_shared>>
      %dma_start3A_55 = arith.constant 0 : i32
      %dma_start3A_56 = tpu.memref_slice %arg13[%add3A_10, %dma_start3A_55] : memref<10240x32xf32, #tpu.memory_space<vmem_shared>> -> memref<128x32xf32, #tpu.memory_space<vmem_shared>>
      tpu.enqueue_dma source(%arg9 : memref<128x32xf32, #tpu.memory_space<vmem>>) target(%dma_start3A_56 : memref<128x32xf32, #tpu.memory_space<vmem_shared>>) target_semaphore(%run_scoped3A : memref<!tpu.dma_semaphore, #tpu.memory_space<semaphore_mem>>)
      %dma_wait3A = arith.constant 0 : i32
      %dma_wait3A_57 = tpu.memref_slice %arg13[%add3A_10, %dma_wait3A] : memref<10240x32xf32, #tpu.memory_space<vmem_shared>> -> memref<128x32xf32, #tpu.memory_space<vmem_shared>>
      %dma_wait3A_58 = arith.constant 0 : i32
      %dma_wait3A_59 = tpu.memref_slice %arg13[%add3A_10, %dma_wait3A_58] : memref<10240x32xf32, #tpu.memory_space<vmem_shared>> -> memref<128x32xf32, #tpu.memory_space<vmem_shared>>
      tpu.wait_dma2 semaphore(%run_scoped3A : memref<!tpu.dma_semaphore, #tpu.memory_space<semaphore_mem>>) src(%arg9 : memref<128x32xf32, #tpu.memory_space<vmem>>) dst(%dma_wait3A_59 : memref<128x32xf32, #tpu.memory_space<vmem_shared>>)
      tpu.yield
    }) : () -> ()
    %add3A_11 = arith.constant 512 : i32
    %add3A_12 = arith.addi %mul3A_2, %add3A_11 : i32
    "tpu.region"() ({
      %run_scoped3A = tpu.sem_alloc : memref<!tpu.dma_semaphore, #tpu.memory_space<semaphore_mem>>
      %dma_start3A_53 = arith.constant 0 : i32
      %dma_start3A_54 = tpu.memref_slice %arg13[%add3A_12, %dma_start3A_53] : memref<10240x32xf32, #tpu.memory_space<vmem_shared>> -> memref<128x32xf32, #tpu.memory_space<vmem_shared>>
      %dma_start3A_55 = arith.constant 0 : i32
      %dma_start3A_56 = tpu.memref_slice %arg13[%add3A_12, %dma_start3A_55] : memref<10240x32xf32, #tpu.memory_space<vmem_shared>> -> memref<128x32xf32, #tpu.memory_space<vmem_shared>>
      tpu.enqueue_dma source(%arg9 : memref<128x32xf32, #tpu.memory_space<vmem>>) target(%dma_start3A_56 : memref<128x32xf32, #tpu.memory_space<vmem_shared>>) target_semaphore(%run_scoped3A : memref<!tpu.dma_semaphore, #tpu.memory_space<semaphore_mem>>)
      %dma_wait3A = arith.constant 0 : i32
      %dma_wait3A_57 = tpu.memref_slice %arg13[%add3A_12, %dma_wait3A] : memref<10240x32xf32, #tpu.memory_space<vmem_shared>> -> memref<128x32xf32, #tpu.memory_space<vmem_shared>>
      %dma_wait3A_58 = arith.constant 0 : i32
      %dma_wait3A_59 = tpu.memref_slice %arg13[%add3A_12, %dma_wait3A_58] : memref<10240x32xf32, #tpu.memory_space<vmem_shared>> -> memref<128x32xf32, #tpu.memory_space<vmem_shared>>
      tpu.wait_dma2 semaphore(%run_scoped3A : memref<!tpu.dma_semaphore, #tpu.memory_space<semaphore_mem>>) src(%arg9 : memref<128x32xf32, #tpu.memory_space<vmem>>) dst(%dma_wait3A_59 : memref<128x32xf32, #tpu.memory_space<vmem_shared>>)
      tpu.yield
    }) : () -> ()
    %mul3A_13 = arith.constant 80 : i32
    %mul3A_14 = arith.muli %add3A, %mul3A_13 : i32
    "tpu.region"() ({
      %run_scoped3A = tpu.sem_alloc : memref<!tpu.dma_semaphore, #tpu.memory_space<semaphore_mem>>
      %dma_start3A_53 = arith.constant 0 : i32
      %dma_start3A_54 = tpu.memref_slice %arg3[%mul3A_14, %dma_start3A_53] : memref<2560x128xi32, #tpu.memory_space<hbm>> -> memref<80x128xi32, #tpu.memory_space<hbm>>
      %dma_start3A_55 = arith.constant 0 : i32
      %dma_start3A_56 = tpu.memref_slice %arg3[%mul3A_14, %dma_start3A_55] : memref<2560x128xi32, #tpu.memory_space<hbm>> -> memref<80x128xi32, #tpu.memory_space<hbm>>
      tpu.enqueue_dma source(%dma_start3A_56 : memref<80x128xi32, #tpu.memory_space<hbm>>) target(%arg7 : memref<80x128xi32, #tpu.memory_space<vmem>>) target_semaphore(%run_scoped3A : memref<!tpu.dma_semaphore, #tpu.memory_space<semaphore_mem>>)
      %dma_wait3A = arith.constant 0 : i32
      %dma_wait3A_57 = tpu.memref_slice %arg3[%mul3A_14, %dma_wait3A] : memref<2560x128xi32, #tpu.memory_space<hbm>> -> memref<80x128xi32, #tpu.memory_space<hbm>>
      %dma_wait3A_58 = arith.constant 0 : i32
      %dma_wait3A_59 = tpu.memref_slice %arg3[%mul3A_14, %dma_wait3A_58] : memref<2560x128xi32, #tpu.memory_space<hbm>> -> memref<80x128xi32, #tpu.memory_space<hbm>>
      tpu.wait_dma2 semaphore(%run_scoped3A : memref<!tpu.dma_semaphore, #tpu.memory_space<semaphore_mem>>) src(%dma_wait3A_59 : memref<80x128xi32, #tpu.memory_space<hbm>>) dst(%arg7 : memref<80x128xi32, #tpu.memory_space<vmem>>)
      tpu.yield
    }) : () -> ()
    %mul3A_15 = arith.constant 80 : i32
    %mul3A_16 = arith.muli %add3A, %mul3A_15 : i32
    "tpu.region"() ({
      %run_scoped3A = tpu.sem_alloc : memref<!tpu.dma_semaphore, #tpu.memory_space<semaphore_mem>>
      %dma_start3A_53 = arith.constant 0 : i32
      %dma_start3A_54 = tpu.memref_slice %arg4[%mul3A_16, %dma_start3A_53] : memref<2560x128xi32, #tpu.memory_space<hbm>> -> memref<80x128xi32, #tpu.memory_space<hbm>>
      %dma_start3A_55 = arith.constant 0 : i32
      %dma_start3A_56 = tpu.memref_slice %arg4[%mul3A_16, %dma_start3A_55] : memref<2560x128xi32, #tpu.memory_space<hbm>> -> memref<80x128xi32, #tpu.memory_space<hbm>>
      tpu.enqueue_dma source(%dma_start3A_56 : memref<80x128xi32, #tpu.memory_space<hbm>>) target(%arg8 : memref<80x128xi32, #tpu.memory_space<vmem>>) target_semaphore(%run_scoped3A : memref<!tpu.dma_semaphore, #tpu.memory_space<semaphore_mem>>)
      %dma_wait3A = arith.constant 0 : i32
      %dma_wait3A_57 = tpu.memref_slice %arg4[%mul3A_16, %dma_wait3A] : memref<2560x128xi32, #tpu.memory_space<hbm>> -> memref<80x128xi32, #tpu.memory_space<hbm>>
      %dma_wait3A_58 = arith.constant 0 : i32
      %dma_wait3A_59 = tpu.memref_slice %arg4[%mul3A_16, %dma_wait3A_58] : memref<2560x128xi32, #tpu.memory_space<hbm>> -> memref<80x128xi32, #tpu.memory_space<hbm>>
      tpu.wait_dma2 semaphore(%run_scoped3A : memref<!tpu.dma_semaphore, #tpu.memory_space<semaphore_mem>>) src(%dma_wait3A_59 : memref<80x128xi32, #tpu.memory_space<hbm>>) dst(%arg8 : memref<80x128xi32, #tpu.memory_space<vmem>>)
      tpu.yield
    }) : () -> ()
    %barrier3A = arith.constant 0 : index
    tpu.barrier barrier_id(%barrier3A)
    %dma_start3A = arith.constant 0 : i32
    %dma_start3A_17 = arith.constant 0 : i32
    %dma_start3A_18 = tpu.memref_slice %arg7[%dma_start3A, %dma_start3A_17] : memref<80x128xi32, #tpu.memory_space<vmem>> -> memref<1x128xi32, #tpu.memory_space<vmem>>
    %dma_start3A_19 = tpu.memref_squeeze %dma_start3A_18 : memref<1x128xi32, #tpu.memory_space<vmem>> -> memref<128xi32, #tpu.memory_space<vmem>>
    %dma_start3A_20 = arith.constant 0 : i32
    %dma_start3A_21 = arith.constant 0 : i32
    %dma_start3A_22 = tpu.memref_slice %arg2[%dma_start3A_20, %dma_start3A_21] : memref<10240x32xf32, #tpu.memory_space<hbm>> -> memref<10240x32xf32, #tpu.memory_space<hbm>>
    tpu.enqueue_indirect_dma source(%dma_start3A_22 : memref<10240x32xf32, #tpu.memory_space<hbm>>) target(%arg9 : memref<128x32xf32, #tpu.memory_space<vmem>>) offsets(%dma_start3A_19 : memref<128xi32, #tpu.memory_space<vmem>>) semaphore(%arg14 : memref<!tpu.dma_semaphore, #tpu.memory_space<semaphore_mem>>)
    %dma_start3A_23 = arith.constant 1 : i32
    %dma_start3A_24 = arith.constant 0 : i32
    %dma_start3A_25 = tpu.memref_slice %arg7[%dma_start3A_23, %dma_start3A_24] : memref<80x128xi32, #tpu.memory_space<vmem>> -> memref<1x128xi32, #tpu.memory_space<vmem>>
    %dma_start3A_26 = tpu.memref_squeeze %dma_start3A_25 : memref<1x128xi32, #tpu.memory_space<vmem>> -> memref<128xi32, #tpu.memory_space<vmem>>
    %dma_start3A_27 = arith.constant 0 : i32
    %dma_start3A_28 = arith.constant 0 : i32
    %dma_start3A_29 = tpu.memref_slice %arg2[%dma_start3A_27, %dma_start3A_28] : memref<10240x32xf32, #tpu.memory_space<hbm>> -> memref<10240x32xf32, #tpu.memory_space<hbm>>
    tpu.enqueue_indirect_dma source(%dma_start3A_29 : memref<10240x32xf32, #tpu.memory_space<hbm>>) target(%arg10 : memref<128x32xf32, #tpu.memory_space<vmem>>) offsets(%dma_start3A_26 : memref<128xi32, #tpu.memory_space<vmem>>) semaphore(%arg15 : memref<!tpu.dma_semaphore, #tpu.memory_space<semaphore_mem>>)
    %dma_start3A_30 = arith.constant 2 : i32
    %dma_start3A_31 = arith.constant 0 : i32
    %dma_start3A_32 = tpu.memref_slice %arg7[%dma_start3A_30, %dma_start3A_31] : memref<80x128xi32, #tpu.memory_space<vmem>> -> memref<1x128xi32, #tpu.memory_space<vmem>>
    %dma_start3A_33 = tpu.memref_squeeze %dma_start3A_32 : memref<1x128xi32, #tpu.memory_space<vmem>> -> memref<128xi32, #tpu.memory_space<vmem>>
    %dma_start3A_34 = arith.constant 0 : i32
    %dma_start3A_35 = arith.constant 0 : i32
    %dma_start3A_36 = tpu.memref_slice %arg2[%dma_start3A_34, %dma_start3A_35] : memref<10240x32xf32, #tpu.memory_space<hbm>> -> memref<10240x32xf32, #tpu.memory_space<hbm>>
    tpu.enqueue_indirect_dma source(%dma_start3A_36 : memref<10240x32xf32, #tpu.memory_space<hbm>>) target(%arg11 : memref<128x32xf32, #tpu.memory_space<vmem>>) offsets(%dma_start3A_33 : memref<128xi32, #tpu.memory_space<vmem>>) semaphore(%arg16 : memref<!tpu.dma_semaphore, #tpu.memory_space<semaphore_mem>>)
    %dma_start3A_37 = arith.constant 3 : i32
    %dma_start3A_38 = arith.constant 0 : i32
    %dma_start3A_39 = tpu.memref_slice %arg7[%dma_start3A_37, %dma_start3A_38] : memref<80x128xi32, #tpu.memory_space<vmem>> -> memref<1x128xi32, #tpu.memory_space<vmem>>
    %dma_start3A_40 = tpu.memref_squeeze %dma_start3A_39 : memref<1x128xi32, #tpu.memory_space<vmem>> -> memref<128xi32, #tpu.memory_space<vmem>>
    %dma_start3A_41 = arith.constant 0 : i32
    %dma_start3A_42 = arith.constant 0 : i32
    %dma_start3A_43 = tpu.memref_slice %arg2[%dma_start3A_41, %dma_start3A_42] : memref<10240x32xf32, #tpu.memory_space<hbm>> -> memref<10240x32xf32, #tpu.memory_space<hbm>>
    tpu.enqueue_indirect_dma source(%dma_start3A_43 : memref<10240x32xf32, #tpu.memory_space<hbm>>) target(%arg12 : memref<128x32xf32, #tpu.memory_space<vmem>>) offsets(%dma_start3A_40 : memref<128xi32, #tpu.memory_space<vmem>>) semaphore(%arg17 : memref<!tpu.dma_semaphore, #tpu.memory_space<semaphore_mem>>)
    %scan3A = arith.constant 0 : i32
    %scan3A_44 = arith.constant 0 : i32
    %scan3A_45 = arith.constant 20 : i32
    %scan3A_46 = arith.addi %scan3A_44, %scan3A_45 : i32
    %scan3A_47 = arith.constant 1 : i32
    scf.for %scan3A_53 = %scan3A_44 to %scan3A_46 step %scan3A_47  : i32 {
      %mul3A_54 = arith.constant 4 : i32
      %mul3A_55 = arith.muli %scan3A_53, %mul3A_54 : i32
      %add3A_56 = arith.constant 0 : i32
      %add3A_57 = arith.addi %mul3A_55, %add3A_56 : i32
      %dma_wait3A = arith.constant 0 : i32
      %dma_wait3A_58 = tpu.memref_slice %arg7[%add3A_57, %dma_wait3A] : memref<80x128xi32, #tpu.memory_space<vmem>> -> memref<1x128xi32, #tpu.memory_space<vmem>>
      %dma_wait3A_59 = tpu.memref_squeeze %dma_wait3A_58 : memref<1x128xi32, #tpu.memory_space<vmem>> -> memref<128xi32, #tpu.memory_space<vmem>>
      %dma_wait3A_60 = arith.constant 0 : i32
      %dma_wait3A_61 = arith.constant 0 : i32
      %dma_wait3A_62 = tpu.memref_slice %arg2[%dma_wait3A_60, %dma_wait3A_61] : memref<10240x32xf32, #tpu.memory_space<hbm>> -> memref<10240x32xf32, #tpu.memory_space<hbm>>
      tpu.wait_indirect_dma semaphore(%arg14 : memref<!tpu.dma_semaphore, #tpu.memory_space<semaphore_mem>>) src(%dma_wait3A_62 : memref<10240x32xf32, #tpu.memory_space<hbm>>) dst(%arg9 : memref<128x32xf32, #tpu.memory_space<vmem>>)
      "tpu.region"() ({
        %run_scoped3A = tpu.sem_alloc : memref<!tpu.dma_semaphore, #tpu.memory_space<semaphore_mem>>
        %dma_start3A_112 = arith.constant 0 : i32
        %dma_start3A_113 = tpu.memref_slice %arg8[%add3A_57, %dma_start3A_112] : memref<80x128xi32, #tpu.memory_space<vmem>> -> memref<1x128xi32, #tpu.memory_space<vmem>>
        %dma_start3A_114 = tpu.memref_squeeze %dma_start3A_113 : memref<1x128xi32, #tpu.memory_space<vmem>> -> memref<128xi32, #tpu.memory_space<vmem>>
        %dma_start3A_115 = arith.constant 0 : i32
        %dma_start3A_116 = arith.constant 0 : i32
        %dma_start3A_117 = tpu.memref_slice %arg13[%dma_start3A_115, %dma_start3A_116] : memref<10240x32xf32, #tpu.memory_space<vmem_shared>> -> memref<10240x32xf32, #tpu.memory_space<vmem_shared>>
        tpu.enqueue_indirect_dma source(%arg9 : memref<128x32xf32, #tpu.memory_space<vmem>>) target(%dma_start3A_117 : memref<10240x32xf32, #tpu.memory_space<vmem_shared>>) offsets(%dma_start3A_114 : memref<128xi32, #tpu.memory_space<vmem>>) semaphore(%run_scoped3A : memref<!tpu.dma_semaphore, #tpu.memory_space<semaphore_mem>>) {add = true}
        %dma_wait3A_118 = arith.constant 0 : i32
        %dma_wait3A_119 = tpu.memref_slice %arg8[%add3A_57, %dma_wait3A_118] : memref<80x128xi32, #tpu.memory_space<vmem>> -> memref<1x128xi32, #tpu.memory_space<vmem>>
        %dma_wait3A_120 = tpu.memref_squeeze %dma_wait3A_119 : memref<1x128xi32, #tpu.memory_space<vmem>> -> memref<128xi32, #tpu.memory_space<vmem>>
        %dma_wait3A_121 = arith.constant 0 : i32
        %dma_wait3A_122 = arith.constant 0 : i32
        %dma_wait3A_123 = tpu.memref_slice %arg13[%dma_wait3A_121, %dma_wait3A_122] : memref<10240x32xf32, #tpu.memory_space<vmem_shared>> -> memref<10240x32xf32, #tpu.memory_space<vmem_shared>>
        tpu.wait_indirect_dma semaphore(%run_scoped3A : memref<!tpu.dma_semaphore, #tpu.memory_space<semaphore_mem>>) src(%arg9 : memref<128x32xf32, #tpu.memory_space<vmem>>) dst(%dma_wait3A_123 : memref<10240x32xf32, #tpu.memory_space<vmem_shared>>)
        tpu.yield
      }) : () -> ()
      %add3A_63 = arith.constant 4 : i32
      %add3A_64 = arith.addi %add3A_57, %add3A_63 : i32
      %lt3A = arith.constant 80 : i32
      %lt3A_65 = arith.cmpi slt, %add3A_64, %lt3A : i32
      %convert_element_type3A = arith.extui %lt3A_65 : i1 to i32
      %cond3A = arith.constant 0 : i32
      %cond3A_66 = arith.cmpi ne, %convert_element_type3A, %cond3A : i32
      scf.if %cond3A_66 {
        %add3A_112 = arith.constant 4 : i32
        %add3A_113 = arith.addi %add3A_57, %add3A_112 : i32
        %dma_start3A_114 = arith.constant 0 : i32
        %dma_start3A_115 = tpu.memref_slice %arg7[%add3A_113, %dma_start3A_114] : memref<80x128xi32, #tpu.memory_space<vmem>> -> memref<1x128xi32, #tpu.memory_space<vmem>>
        %dma_start3A_116 = tpu.memref_squeeze %dma_start3A_115 : memref<1x128xi32, #tpu.memory_space<vmem>> -> memref<128xi32, #tpu.memory_space<vmem>>
        %dma_start3A_117 = arith.constant 0 : i32
        %dma_start3A_118 = arith.constant 0 : i32
        %dma_start3A_119 = tpu.memref_slice %arg2[%dma_start3A_117, %dma_start3A_118] : memref<10240x32xf32, #tpu.memory_space<hbm>> -> memref<10240x32xf32, #tpu.memory_space<hbm>>
        tpu.enqueue_indirect_dma source(%dma_start3A_119 : memref<10240x32xf32, #tpu.memory_space<hbm>>) target(%arg9 : memref<128x32xf32, #tpu.memory_space<vmem>>) offsets(%dma_start3A_116 : memref<128xi32, #tpu.memory_space<vmem>>) semaphore(%arg14 : memref<!tpu.dma_semaphore, #tpu.memory_space<semaphore_mem>>)
      } else {
      }
      %add3A_67 = arith.constant 1 : i32
      %add3A_68 = arith.addi %mul3A_55, %add3A_67 : i32
      %dma_wait3A_69 = arith.constant 0 : i32
      %dma_wait3A_70 = tpu.memref_slice %arg7[%add3A_68, %dma_wait3A_69] : memref<80x128xi32, #tpu.memory_space<vmem>> -> memref<1x128xi32, #tpu.memory_space<vmem>>
      %dma_wait3A_71 = tpu.memref_squeeze %dma_wait3A_70 : memref<1x128xi32, #tpu.memory_space<vmem>> -> memref<128xi32, #tpu.memory_space<vmem>>
      %dma_wait3A_72 = arith.constant 0 : i32
      %dma_wait3A_73 = arith.constant 0 : i32
      %dma_wait3A_74 = tpu.memref_slice %arg2[%dma_wait3A_72, %dma_wait3A_73] : memref<10240x32xf32, #tpu.memory_space<hbm>> -> memref<10240x32xf32, #tpu.memory_space<hbm>>
      tpu.wait_indirect_dma semaphore(%arg15 : memref<!tpu.dma_semaphore, #tpu.memory_space<semaphore_mem>>) src(%dma_wait3A_74 : memref<10240x32xf32, #tpu.memory_space<hbm>>) dst(%arg10 : memref<128x32xf32, #tpu.memory_space<vmem>>)
      "tpu.region"() ({
        %run_scoped3A = tpu.sem_alloc : memref<!tpu.dma_semaphore, #tpu.memory_space<semaphore_mem>>
        %dma_start3A_112 = arith.constant 0 : i32
        %dma_start3A_113 = tpu.memref_slice %arg8[%add3A_68, %dma_start3A_112] : memref<80x128xi32, #tpu.memory_space<vmem>> -> memref<1x128xi32, #tpu.memory_space<vmem>>
        %dma_start3A_114 = tpu.memref_squeeze %dma_start3A_113 : memref<1x128xi32, #tpu.memory_space<vmem>> -> memref<128xi32, #tpu.memory_space<vmem>>
        %dma_start3A_115 = arith.constant 0 : i32
        %dma_start3A_116 = arith.constant 0 : i32
        %dma_start3A_117 = tpu.memref_slice %arg13[%dma_start3A_115, %dma_start3A_116] : memref<10240x32xf32, #tpu.memory_space<vmem_shared>> -> memref<10240x32xf32, #tpu.memory_space<vmem_shared>>
        tpu.enqueue_indirect_dma source(%arg10 : memref<128x32xf32, #tpu.memory_space<vmem>>) target(%dma_start3A_117 : memref<10240x32xf32, #tpu.memory_space<vmem_shared>>) offsets(%dma_start3A_114 : memref<128xi32, #tpu.memory_space<vmem>>) semaphore(%run_scoped3A : memref<!tpu.dma_semaphore, #tpu.memory_space<semaphore_mem>>) {add = true}
        %dma_wait3A_118 = arith.constant 0 : i32
        %dma_wait3A_119 = tpu.memref_slice %arg8[%add3A_68, %dma_wait3A_118] : memref<80x128xi32, #tpu.memory_space<vmem>> -> memref<1x128xi32, #tpu.memory_space<vmem>>
        %dma_wait3A_120 = tpu.memref_squeeze %dma_wait3A_119 : memref<1x128xi32, #tpu.memory_space<vmem>> -> memref<128xi32, #tpu.memory_space<vmem>>
        %dma_wait3A_121 = arith.constant 0 : i32
        %dma_wait3A_122 = arith.constant 0 : i32
        %dma_wait3A_123 = tpu.memref_slice %arg13[%dma_wait3A_121, %dma_wait3A_122] : memref<10240x32xf32, #tpu.memory_space<vmem_shared>> -> memref<10240x32xf32, #tpu.memory_space<vmem_shared>>
        tpu.wait_indirect_dma semaphore(%run_scoped3A : memref<!tpu.dma_semaphore, #tpu.memory_space<semaphore_mem>>) src(%arg10 : memref<128x32xf32, #tpu.memory_space<vmem>>) dst(%dma_wait3A_123 : memref<10240x32xf32, #tpu.memory_space<vmem_shared>>)
        tpu.yield
      }) : () -> ()
      %add3A_75 = arith.constant 4 : i32
      %add3A_76 = arith.addi %add3A_68, %add3A_75 : i32
      %lt3A_77 = arith.constant 80 : i32
      %lt3A_78 = arith.cmpi slt, %add3A_76, %lt3A_77 : i32
      %convert_element_type3A_79 = arith.extui %lt3A_78 : i1 to i32
      %cond3A_80 = arith.constant 0 : i32
      %cond3A_81 = arith.cmpi ne, %convert_element_type3A_79, %cond3A_80 : i32
      scf.if %cond3A_81 {
        %add3A_112 = arith.constant 4 : i32
        %add3A_113 = arith.addi %add3A_68, %add3A_112 : i32
        %dma_start3A_114 = arith.constant 0 : i32
        %dma_start3A_115 = tpu.memref_slice %arg7[%add3A_113, %dma_start3A_114] : memref<80x128xi32, #tpu.memory_space<vmem>> -> memref<1x128xi32, #tpu.memory_space<vmem>>
        %dma_start3A_116 = tpu.memref_squeeze %dma_start3A_115 : memref<1x128xi32, #tpu.memory_space<vmem>> -> memref<128xi32, #tpu.memory_space<vmem>>
        %dma_start3A_117 = arith.constant 0 : i32
        %dma_start3A_118 = arith.constant 0 : i32
        %dma_start3A_119 = tpu.memref_slice %arg2[%dma_start3A_117, %dma_start3A_118] : memref<10240x32xf32, #tpu.memory_space<hbm>> -> memref<10240x32xf32, #tpu.memory_space<hbm>>
        tpu.enqueue_indirect_dma source(%dma_start3A_119 : memref<10240x32xf32, #tpu.memory_space<hbm>>) target(%arg10 : memref<128x32xf32, #tpu.memory_space<vmem>>) offsets(%dma_start3A_116 : memref<128xi32, #tpu.memory_space<vmem>>) semaphore(%arg15 : memref<!tpu.dma_semaphore, #tpu.memory_space<semaphore_mem>>)
      } else {
      }
      %add3A_82 = arith.constant 2 : i32
      %add3A_83 = arith.addi %mul3A_55, %add3A_82 : i32
      %dma_wait3A_84 = arith.constant 0 : i32
      %dma_wait3A_85 = tpu.memref_slice %arg7[%add3A_83, %dma_wait3A_84] : memref<80x128xi32, #tpu.memory_space<vmem>> -> memref<1x128xi32, #tpu.memory_space<vmem>>
      %dma_wait3A_86 = tpu.memref_squeeze %dma_wait3A_85 : memref<1x128xi32, #tpu.memory_space<vmem>> -> memref<128xi32, #tpu.memory_space<vmem>>
      %dma_wait3A_87 = arith.constant 0 : i32
      %dma_wait3A_88 = arith.constant 0 : i32
      %dma_wait3A_89 = tpu.memref_slice %arg2[%dma_wait3A_87, %dma_wait3A_88] : memref<10240x32xf32, #tpu.memory_space<hbm>> -> memref<10240x32xf32, #tpu.memory_space<hbm>>
      tpu.wait_indirect_dma semaphore(%arg16 : memref<!tpu.dma_semaphore, #tpu.memory_space<semaphore_mem>>) src(%dma_wait3A_89 : memref<10240x32xf32, #tpu.memory_space<hbm>>) dst(%arg11 : memref<128x32xf32, #tpu.memory_space<vmem>>)
      "tpu.region"() ({
        %run_scoped3A = tpu.sem_alloc : memref<!tpu.dma_semaphore, #tpu.memory_space<semaphore_mem>>
        %dma_start3A_112 = arith.constant 0 : i32
        %dma_start3A_113 = tpu.memref_slice %arg8[%add3A_83, %dma_start3A_112] : memref<80x128xi32, #tpu.memory_space<vmem>> -> memref<1x128xi32, #tpu.memory_space<vmem>>
        %dma_start3A_114 = tpu.memref_squeeze %dma_start3A_113 : memref<1x128xi32, #tpu.memory_space<vmem>> -> memref<128xi32, #tpu.memory_space<vmem>>
        %dma_start3A_115 = arith.constant 0 : i32
        %dma_start3A_116 = arith.constant 0 : i32
        %dma_start3A_117 = tpu.memref_slice %arg13[%dma_start3A_115, %dma_start3A_116] : memref<10240x32xf32, #tpu.memory_space<vmem_shared>> -> memref<10240x32xf32, #tpu.memory_space<vmem_shared>>
        tpu.enqueue_indirect_dma source(%arg11 : memref<128x32xf32, #tpu.memory_space<vmem>>) target(%dma_start3A_117 : memref<10240x32xf32, #tpu.memory_space<vmem_shared>>) offsets(%dma_start3A_114 : memref<128xi32, #tpu.memory_space<vmem>>) semaphore(%run_scoped3A : memref<!tpu.dma_semaphore, #tpu.memory_space<semaphore_mem>>) {add = true}
        %dma_wait3A_118 = arith.constant 0 : i32
        %dma_wait3A_119 = tpu.memref_slice %arg8[%add3A_83, %dma_wait3A_118] : memref<80x128xi32, #tpu.memory_space<vmem>> -> memref<1x128xi32, #tpu.memory_space<vmem>>
        %dma_wait3A_120 = tpu.memref_squeeze %dma_wait3A_119 : memref<1x128xi32, #tpu.memory_space<vmem>> -> memref<128xi32, #tpu.memory_space<vmem>>
        %dma_wait3A_121 = arith.constant 0 : i32
        %dma_wait3A_122 = arith.constant 0 : i32
        %dma_wait3A_123 = tpu.memref_slice %arg13[%dma_wait3A_121, %dma_wait3A_122] : memref<10240x32xf32, #tpu.memory_space<vmem_shared>> -> memref<10240x32xf32, #tpu.memory_space<vmem_shared>>
        tpu.wait_indirect_dma semaphore(%run_scoped3A : memref<!tpu.dma_semaphore, #tpu.memory_space<semaphore_mem>>) src(%arg11 : memref<128x32xf32, #tpu.memory_space<vmem>>) dst(%dma_wait3A_123 : memref<10240x32xf32, #tpu.memory_space<vmem_shared>>)
        tpu.yield
      }) : () -> ()
      %add3A_90 = arith.constant 4 : i32
      %add3A_91 = arith.addi %add3A_83, %add3A_90 : i32
      %lt3A_92 = arith.constant 80 : i32
      %lt3A_93 = arith.cmpi slt, %add3A_91, %lt3A_92 : i32
      %convert_element_type3A_94 = arith.extui %lt3A_93 : i1 to i32
      %cond3A_95 = arith.constant 0 : i32
      %cond3A_96 = arith.cmpi ne, %convert_element_type3A_94, %cond3A_95 : i32
      scf.if %cond3A_96 {
        %add3A_112 = arith.constant 4 : i32
        %add3A_113 = arith.addi %add3A_83, %add3A_112 : i32
        %dma_start3A_114 = arith.constant 0 : i32
        %dma_start3A_115 = tpu.memref_slice %arg7[%add3A_113, %dma_start3A_114] : memref<80x128xi32, #tpu.memory_space<vmem>> -> memref<1x128xi32, #tpu.memory_space<vmem>>
        %dma_start3A_116 = tpu.memref_squeeze %dma_start3A_115 : memref<1x128xi32, #tpu.memory_space<vmem>> -> memref<128xi32, #tpu.memory_space<vmem>>
        %dma_start3A_117 = arith.constant 0 : i32
        %dma_start3A_118 = arith.constant 0 : i32
        %dma_start3A_119 = tpu.memref_slice %arg2[%dma_start3A_117, %dma_start3A_118] : memref<10240x32xf32, #tpu.memory_space<hbm>> -> memref<10240x32xf32, #tpu.memory_space<hbm>>
        tpu.enqueue_indirect_dma source(%dma_start3A_119 : memref<10240x32xf32, #tpu.memory_space<hbm>>) target(%arg11 : memref<128x32xf32, #tpu.memory_space<vmem>>) offsets(%dma_start3A_116 : memref<128xi32, #tpu.memory_space<vmem>>) semaphore(%arg16 : memref<!tpu.dma_semaphore, #tpu.memory_space<semaphore_mem>>)
      } else {
      }
      %add3A_97 = arith.constant 3 : i32
      %add3A_98 = arith.addi %mul3A_55, %add3A_97 : i32
      %dma_wait3A_99 = arith.constant 0 : i32
      %dma_wait3A_100 = tpu.memref_slice %arg7[%add3A_98, %dma_wait3A_99] : memref<80x128xi32, #tpu.memory_space<vmem>> -> memref<1x128xi32, #tpu.memory_space<vmem>>
      %dma_wait3A_101 = tpu.memref_squeeze %dma_wait3A_100 : memref<1x128xi32, #tpu.memory_space<vmem>> -> memref<128xi32, #tpu.memory_space<vmem>>
      %dma_wait3A_102 = arith.constant 0 : i32
      %dma_wait3A_103 = arith.constant 0 : i32
      %dma_wait3A_104 = tpu.memref_slice %arg2[%dma_wait3A_102, %dma_wait3A_103] : memref<10240x32xf32, #tpu.memory_space<hbm>> -> memref<10240x32xf32, #tpu.memory_space<hbm>>
      tpu.wait_indirect_dma semaphore(%arg17 : memref<!tpu.dma_semaphore, #tpu.memory_space<semaphore_mem>>) src(%dma_wait3A_104 : memref<10240x32xf32, #tpu.memory_space<hbm>>) dst(%arg12 : memref<128x32xf32, #tpu.memory_space<vmem>>)
      "tpu.region"() ({
        %run_scoped3A = tpu.sem_alloc : memref<!tpu.dma_semaphore, #tpu.memory_space<semaphore_mem>>
        %dma_start3A_112 = arith.constant 0 : i32
        %dma_start3A_113 = tpu.memref_slice %arg8[%add3A_98, %dma_start3A_112] : memref<80x128xi32, #tpu.memory_space<vmem>> -> memref<1x128xi32, #tpu.memory_space<vmem>>
        %dma_start3A_114 = tpu.memref_squeeze %dma_start3A_113 : memref<1x128xi32, #tpu.memory_space<vmem>> -> memref<128xi32, #tpu.memory_space<vmem>>
        %dma_start3A_115 = arith.constant 0 : i32
        %dma_start3A_116 = arith.constant 0 : i32
        %dma_start3A_117 = tpu.memref_slice %arg13[%dma_start3A_115, %dma_start3A_116] : memref<10240x32xf32, #tpu.memory_space<vmem_shared>> -> memref<10240x32xf32, #tpu.memory_space<vmem_shared>>
        tpu.enqueue_indirect_dma source(%arg12 : memref<128x32xf32, #tpu.memory_space<vmem>>) target(%dma_start3A_117 : memref<10240x32xf32, #tpu.memory_space<vmem_shared>>) offsets(%dma_start3A_114 : memref<128xi32, #tpu.memory_space<vmem>>) semaphore(%run_scoped3A : memref<!tpu.dma_semaphore, #tpu.memory_space<semaphore_mem>>) {add = true}
        %dma_wait3A_118 = arith.constant 0 : i32
        %dma_wait3A_119 = tpu.memref_slice %arg8[%add3A_98, %dma_wait3A_118] : memref<80x128xi32, #tpu.memory_space<vmem>> -> memref<1x128xi32, #tpu.memory_space<vmem>>
        %dma_wait3A_120 = tpu.memref_squeeze %dma_wait3A_119 : memref<1x128xi32, #tpu.memory_space<vmem>> -> memref<128xi32, #tpu.memory_space<vmem>>
        %dma_wait3A_121 = arith.constant 0 : i32
        %dma_wait3A_122 = arith.constant 0 : i32
        %dma_wait3A_123 = tpu.memref_slice %arg13[%dma_wait3A_121, %dma_wait3A_122] : memref<10240x32xf32, #tpu.memory_space<vmem_shared>> -> memref<10240x32xf32, #tpu.memory_space<vmem_shared>>
        tpu.wait_indirect_dma semaphore(%run_scoped3A : memref<!tpu.dma_semaphore, #tpu.memory_space<semaphore_mem>>) src(%arg12 : memref<128x32xf32, #tpu.memory_space<vmem>>) dst(%dma_wait3A_123 : memref<10240x32xf32, #tpu.memory_space<vmem_shared>>)
        tpu.yield
      }) : () -> ()
      %add3A_105 = arith.constant 4 : i32
      %add3A_106 = arith.addi %add3A_98, %add3A_105 : i32
      %lt3A_107 = arith.constant 80 : i32
      %lt3A_108 = arith.cmpi slt, %add3A_106, %lt3A_107 : i32
      %convert_element_type3A_109 = arith.extui %lt3A_108 : i1 to i32
      %cond3A_110 = arith.constant 0 : i32
      %cond3A_111 = arith.cmpi ne, %convert_element_type3A_109, %cond3A_110 : i32
      scf.if %cond3A_111 {
        %add3A_112 = arith.constant 4 : i32
        %add3A_113 = arith.addi %add3A_98, %add3A_112 : i32
        %dma_start3A_114 = arith.constant 0 : i32
        %dma_start3A_115 = tpu.memref_slice %arg7[%add3A_113, %dma_start3A_114] : memref<80x128xi32, #tpu.memory_space<vmem>> -> memref<1x128xi32, #tpu.memory_space<vmem>>
        %dma_start3A_116 = tpu.memref_squeeze %dma_start3A_115 : memref<1x128xi32, #tpu.memory_space<vmem>> -> memref<128xi32, #tpu.memory_space<vmem>>
        %dma_start3A_117 = arith.constant 0 : i32
        %dma_start3A_118 = arith.constant 0 : i32
        %dma_start3A_119 = tpu.memref_slice %arg2[%dma_start3A_117, %dma_start3A_118] : memref<10240x32xf32, #tpu.memory_space<hbm>> -> memref<10240x32xf32, #tpu.memory_space<hbm>>
        tpu.enqueue_indirect_dma source(%dma_start3A_119 : memref<10240x32xf32, #tpu.memory_space<hbm>>) target(%arg12 : memref<128x32xf32, #tpu.memory_space<vmem>>) offsets(%dma_start3A_116 : memref<128xi32, #tpu.memory_space<vmem>>) semaphore(%arg17 : memref<!tpu.dma_semaphore, #tpu.memory_space<semaphore_mem>>)
      } else {
      }
    }
    %scan3A_48 = arith.constant 20 : i32
    %barrier3A_49 = arith.constant 0 : index
    tpu.barrier barrier_id(%barrier3A_49)
    %mul3A_50 = arith.constant 10240 : i32
    %mul3A_51 = arith.muli %arg0, %mul3A_50 : i32
    %add3A_52 = arith.addi %mul3A_51, %mul3A_2 : i32
    "tpu.region"() ({
      %run_scoped3A = tpu.sem_alloc : memref<!tpu.dma_semaphore, #tpu.memory_space<semaphore_mem>>
      %dma_start3A_53 = arith.constant 0 : i32
      %dma_start3A_54 = tpu.memref_slice %arg6[%add3A_52, %dma_start3A_53] : memref<20480x32xf32, #tpu.memory_space<hbm>> -> memref<640x32xf32, #tpu.memory_space<hbm>>
      %dma_start3A_55 = arith.constant 0 : i32
      %dma_start3A_56 = tpu.memref_slice %arg13[%mul3A_2, %dma_start3A_55] : memref<10240x32xf32, #tpu.memory_space<vmem_shared>> -> memref<640x32xf32, #tpu.memory_space<vmem_shared>>
      tpu.enqueue_dma source(%dma_start3A_56 : memref<640x32xf32, #tpu.memory_space<vmem_shared>>) target(%dma_start3A_54 : memref<640x32xf32, #tpu.memory_space<hbm>>) target_semaphore(%run_scoped3A : memref<!tpu.dma_semaphore, #tpu.memory_space<semaphore_mem>>)
      %dma_wait3A = arith.constant 0 : i32
      %dma_wait3A_57 = tpu.memref_slice %arg6[%add3A_52, %dma_wait3A] : memref<20480x32xf32, #tpu.memory_space<hbm>> -> memref<640x32xf32, #tpu.memory_space<hbm>>
      %dma_wait3A_58 = arith.constant 0 : i32
      %dma_wait3A_59 = tpu.memref_slice %arg13[%mul3A_2, %dma_wait3A_58] : memref<10240x32xf32, #tpu.memory_space<vmem_shared>> -> memref<640x32xf32, #tpu.memory_space<vmem_shared>>
      tpu.wait_dma2 semaphore(%run_scoped3A : memref<!tpu.dma_semaphore, #tpu.memory_space<semaphore_mem>>) src(%dma_wait3A_59 : memref<640x32xf32, #tpu.memory_space<vmem_shared>>) dst(%dma_wait3A_57 : memref<640x32xf32, #tpu.memory_space<hbm>>)
      tpu.yield
    }) : () -> ()
    return
  }
}

#map = affine_map<(d0, d1) -> (0, 0)>
module attributes {stable_mosaic.version = 14 : i64} {
  func.func @body(%arg0: i32, %arg1: i32, %arg2: memref<10240x16xf32, #tpu.memory_space<hbm>>, %arg3: memref<2560x128xi32, #tpu.memory_space<hbm>>, %arg4: memref<2560x128xi32, #tpu.memory_space<hbm>>, %arg5: memref<128x16xf32, #tpu.memory_space<hbm>>, %arg6: memref<20480x16xf32, #tpu.memory_space<hbm>>, %arg7: memref<80x128xi32, #tpu.memory_space<vmem>>, %arg8: memref<80x128xi32, #tpu.memory_space<vmem>>, %arg9: memref<128x16xf32, #tpu.memory_space<vmem>>, %arg10: memref<128x16xf32, #tpu.memory_space<vmem>>, %arg11: memref<128x16xf32, #tpu.memory_space<vmem>>, %arg12: memref<128x16xf32, #tpu.memory_space<vmem>>, %arg13: memref<10240x16xf32, #tpu.memory_space<vmem_shared>>, %arg14: memref<!tpu.dma_semaphore, #tpu.memory_space<semaphore_mem>>, %arg15: memref<!tpu.dma_semaphore, #tpu.memory_space<semaphore_mem>>, %arg16: memref<!tpu.dma_semaphore, #tpu.memory_space<semaphore_mem>>, %arg17: memref<!tpu.dma_semaphore, #tpu.memory_space<semaphore_mem>>) attributes {dimension_semantics = [#tpu.dimension_semantics<core_parallel>, #tpu.dimension_semantics<subcore_parallel>], iteration_bounds = array<i64: 2, 16>, scalar_prefetch = 0 : i64, scratch_operands = 11 : i64, tpu.core_type = #tpu.core_type<sc_vector_subcore>, window_params = [{transform_indices = #map}, {transform_indices = #map}, {transform_indices = #map}, {transform_indices = #map}, {transform_indices = #map}]} {
    %mul3A = arith.constant 2 : i32
    %mul3A_0 = arith.muli %arg1, %mul3A : i32
    %add3A = arith.addi %mul3A_0, %arg0 : i32
    %mul3A_1 = arith.constant 640 : i32
    %mul3A_2 = arith.muli %arg1, %mul3A_1 : i32
    "tpu.region"() ({
      %run_scoped3A = tpu.sem_alloc : memref<!tpu.dma_semaphore, #tpu.memory_space<semaphore_mem>>
      tpu.enqueue_dma source(%arg5 : memref<128x16xf32, #tpu.memory_space<hbm>>) target(%arg9 : memref<128x16xf32, #tpu.memory_space<vmem>>) target_semaphore(%run_scoped3A : memref<!tpu.dma_semaphore, #tpu.memory_space<semaphore_mem>>)
      tpu.wait_dma2 semaphore(%run_scoped3A : memref<!tpu.dma_semaphore, #tpu.memory_space<semaphore_mem>>) src(%arg5 : memref<128x16xf32, #tpu.memory_space<hbm>>) dst(%arg9 : memref<128x16xf32, #tpu.memory_space<vmem>>)
      tpu.yield
    }) : () -> ()
    %add3A_3 = arith.constant 0 : i32
    %add3A_4 = arith.addi %mul3A_2, %add3A_3 : i32
    "tpu.region"() ({
      %run_scoped3A = tpu.sem_alloc : memref<!tpu.dma_semaphore, #tpu.memory_space<semaphore_mem>>
      %dma_start3A_53 = arith.constant 0 : i32
      %dma_start3A_54 = tpu.memref_slice %arg13[%add3A_4, %dma_start3A_53] : memref<10240x16xf32, #tpu.memory_space<vmem_shared>> -> memref<128x16xf32, #tpu.memory_space<vmem_shared>>
      %dma_start3A_55 = arith.constant 0 : i32
      %dma_start3A_56 = tpu.memref_slice %arg13[%add3A_4, %dma_start3A_55] : memref<10240x16xf32, #tpu.memory_space<vmem_shared>> -> memref<128x16xf32, #tpu.memory_space<vmem_shared>>
      tpu.enqueue_dma source(%arg9 : memref<128x16xf32, #tpu.memory_space<vmem>>) target(%dma_start3A_56 : memref<128x16xf32, #tpu.memory_space<vmem_shared>>) target_semaphore(%run_scoped3A : memref<!tpu.dma_semaphore, #tpu.memory_space<semaphore_mem>>)
      %dma_wait3A = arith.constant 0 : i32
      %dma_wait3A_57 = tpu.memref_slice %arg13[%add3A_4, %dma_wait3A] : memref<10240x16xf32, #tpu.memory_space<vmem_shared>> -> memref<128x16xf32, #tpu.memory_space<vmem_shared>>
      %dma_wait3A_58 = arith.constant 0 : i32
      %dma_wait3A_59 = tpu.memref_slice %arg13[%add3A_4, %dma_wait3A_58] : memref<10240x16xf32, #tpu.memory_space<vmem_shared>> -> memref<128x16xf32, #tpu.memory_space<vmem_shared>>
      tpu.wait_dma2 semaphore(%run_scoped3A : memref<!tpu.dma_semaphore, #tpu.memory_space<semaphore_mem>>) src(%arg9 : memref<128x16xf32, #tpu.memory_space<vmem>>) dst(%dma_wait3A_59 : memref<128x16xf32, #tpu.memory_space<vmem_shared>>)
      tpu.yield
    }) : () -> ()
    %add3A_5 = arith.constant 128 : i32
    %add3A_6 = arith.addi %mul3A_2, %add3A_5 : i32
    "tpu.region"() ({
      %run_scoped3A = tpu.sem_alloc : memref<!tpu.dma_semaphore, #tpu.memory_space<semaphore_mem>>
      %dma_start3A_53 = arith.constant 0 : i32
      %dma_start3A_54 = tpu.memref_slice %arg13[%add3A_6, %dma_start3A_53] : memref<10240x16xf32, #tpu.memory_space<vmem_shared>> -> memref<128x16xf32, #tpu.memory_space<vmem_shared>>
      %dma_start3A_55 = arith.constant 0 : i32
      %dma_start3A_56 = tpu.memref_slice %arg13[%add3A_6, %dma_start3A_55] : memref<10240x16xf32, #tpu.memory_space<vmem_shared>> -> memref<128x16xf32, #tpu.memory_space<vmem_shared>>
      tpu.enqueue_dma source(%arg9 : memref<128x16xf32, #tpu.memory_space<vmem>>) target(%dma_start3A_56 : memref<128x16xf32, #tpu.memory_space<vmem_shared>>) target_semaphore(%run_scoped3A : memref<!tpu.dma_semaphore, #tpu.memory_space<semaphore_mem>>)
      %dma_wait3A = arith.constant 0 : i32
      %dma_wait3A_57 = tpu.memref_slice %arg13[%add3A_6, %dma_wait3A] : memref<10240x16xf32, #tpu.memory_space<vmem_shared>> -> memref<128x16xf32, #tpu.memory_space<vmem_shared>>
      %dma_wait3A_58 = arith.constant 0 : i32
      %dma_wait3A_59 = tpu.memref_slice %arg13[%add3A_6, %dma_wait3A_58] : memref<10240x16xf32, #tpu.memory_space<vmem_shared>> -> memref<128x16xf32, #tpu.memory_space<vmem_shared>>
      tpu.wait_dma2 semaphore(%run_scoped3A : memref<!tpu.dma_semaphore, #tpu.memory_space<semaphore_mem>>) src(%arg9 : memref<128x16xf32, #tpu.memory_space<vmem>>) dst(%dma_wait3A_59 : memref<128x16xf32, #tpu.memory_space<vmem_shared>>)
      tpu.yield
    }) : () -> ()
    %add3A_7 = arith.constant 256 : i32
    %add3A_8 = arith.addi %mul3A_2, %add3A_7 : i32
    "tpu.region"() ({
      %run_scoped3A = tpu.sem_alloc : memref<!tpu.dma_semaphore, #tpu.memory_space<semaphore_mem>>
      %dma_start3A_53 = arith.constant 0 : i32
      %dma_start3A_54 = tpu.memref_slice %arg13[%add3A_8, %dma_start3A_53] : memref<10240x16xf32, #tpu.memory_space<vmem_shared>> -> memref<128x16xf32, #tpu.memory_space<vmem_shared>>
      %dma_start3A_55 = arith.constant 0 : i32
      %dma_start3A_56 = tpu.memref_slice %arg13[%add3A_8, %dma_start3A_55] : memref<10240x16xf32, #tpu.memory_space<vmem_shared>> -> memref<128x16xf32, #tpu.memory_space<vmem_shared>>
      tpu.enqueue_dma source(%arg9 : memref<128x16xf32, #tpu.memory_space<vmem>>) target(%dma_start3A_56 : memref<128x16xf32, #tpu.memory_space<vmem_shared>>) target_semaphore(%run_scoped3A : memref<!tpu.dma_semaphore, #tpu.memory_space<semaphore_mem>>)
      %dma_wait3A = arith.constant 0 : i32
      %dma_wait3A_57 = tpu.memref_slice %arg13[%add3A_8, %dma_wait3A] : memref<10240x16xf32, #tpu.memory_space<vmem_shared>> -> memref<128x16xf32, #tpu.memory_space<vmem_shared>>
      %dma_wait3A_58 = arith.constant 0 : i32
      %dma_wait3A_59 = tpu.memref_slice %arg13[%add3A_8, %dma_wait3A_58] : memref<10240x16xf32, #tpu.memory_space<vmem_shared>> -> memref<128x16xf32, #tpu.memory_space<vmem_shared>>
      tpu.wait_dma2 semaphore(%run_scoped3A : memref<!tpu.dma_semaphore, #tpu.memory_space<semaphore_mem>>) src(%arg9 : memref<128x16xf32, #tpu.memory_space<vmem>>) dst(%dma_wait3A_59 : memref<128x16xf32, #tpu.memory_space<vmem_shared>>)
      tpu.yield
    }) : () -> ()
    %add3A_9 = arith.constant 384 : i32
    %add3A_10 = arith.addi %mul3A_2, %add3A_9 : i32
    "tpu.region"() ({
      %run_scoped3A = tpu.sem_alloc : memref<!tpu.dma_semaphore, #tpu.memory_space<semaphore_mem>>
      %dma_start3A_53 = arith.constant 0 : i32
      %dma_start3A_54 = tpu.memref_slice %arg13[%add3A_10, %dma_start3A_53] : memref<10240x16xf32, #tpu.memory_space<vmem_shared>> -> memref<128x16xf32, #tpu.memory_space<vmem_shared>>
      %dma_start3A_55 = arith.constant 0 : i32
      %dma_start3A_56 = tpu.memref_slice %arg13[%add3A_10, %dma_start3A_55] : memref<10240x16xf32, #tpu.memory_space<vmem_shared>> -> memref<128x16xf32, #tpu.memory_space<vmem_shared>>
      tpu.enqueue_dma source(%arg9 : memref<128x16xf32, #tpu.memory_space<vmem>>) target(%dma_start3A_56 : memref<128x16xf32, #tpu.memory_space<vmem_shared>>) target_semaphore(%run_scoped3A : memref<!tpu.dma_semaphore, #tpu.memory_space<semaphore_mem>>)
      %dma_wait3A = arith.constant 0 : i32
      %dma_wait3A_57 = tpu.memref_slice %arg13[%add3A_10, %dma_wait3A] : memref<10240x16xf32, #tpu.memory_space<vmem_shared>> -> memref<128x16xf32, #tpu.memory_space<vmem_shared>>
      %dma_wait3A_58 = arith.constant 0 : i32
      %dma_wait3A_59 = tpu.memref_slice %arg13[%add3A_10, %dma_wait3A_58] : memref<10240x16xf32, #tpu.memory_space<vmem_shared>> -> memref<128x16xf32, #tpu.memory_space<vmem_shared>>
      tpu.wait_dma2 semaphore(%run_scoped3A : memref<!tpu.dma_semaphore, #tpu.memory_space<semaphore_mem>>) src(%arg9 : memref<128x16xf32, #tpu.memory_space<vmem>>) dst(%dma_wait3A_59 : memref<128x16xf32, #tpu.memory_space<vmem_shared>>)
      tpu.yield
    }) : () -> ()
    %add3A_11 = arith.constant 512 : i32
    %add3A_12 = arith.addi %mul3A_2, %add3A_11 : i32
    "tpu.region"() ({
      %run_scoped3A = tpu.sem_alloc : memref<!tpu.dma_semaphore, #tpu.memory_space<semaphore_mem>>
      %dma_start3A_53 = arith.constant 0 : i32
      %dma_start3A_54 = tpu.memref_slice %arg13[%add3A_12, %dma_start3A_53] : memref<10240x16xf32, #tpu.memory_space<vmem_shared>> -> memref<128x16xf32, #tpu.memory_space<vmem_shared>>
      %dma_start3A_55 = arith.constant 0 : i32
      %dma_start3A_56 = tpu.memref_slice %arg13[%add3A_12, %dma_start3A_55] : memref<10240x16xf32, #tpu.memory_space<vmem_shared>> -> memref<128x16xf32, #tpu.memory_space<vmem_shared>>
      tpu.enqueue_dma source(%arg9 : memref<128x16xf32, #tpu.memory_space<vmem>>) target(%dma_start3A_56 : memref<128x16xf32, #tpu.memory_space<vmem_shared>>) target_semaphore(%run_scoped3A : memref<!tpu.dma_semaphore, #tpu.memory_space<semaphore_mem>>)
      %dma_wait3A = arith.constant 0 : i32
      %dma_wait3A_57 = tpu.memref_slice %arg13[%add3A_12, %dma_wait3A] : memref<10240x16xf32, #tpu.memory_space<vmem_shared>> -> memref<128x16xf32, #tpu.memory_space<vmem_shared>>
      %dma_wait3A_58 = arith.constant 0 : i32
      %dma_wait3A_59 = tpu.memref_slice %arg13[%add3A_12, %dma_wait3A_58] : memref<10240x16xf32, #tpu.memory_space<vmem_shared>> -> memref<128x16xf32, #tpu.memory_space<vmem_shared>>
      tpu.wait_dma2 semaphore(%run_scoped3A : memref<!tpu.dma_semaphore, #tpu.memory_space<semaphore_mem>>) src(%arg9 : memref<128x16xf32, #tpu.memory_space<vmem>>) dst(%dma_wait3A_59 : memref<128x16xf32, #tpu.memory_space<vmem_shared>>)
      tpu.yield
    }) : () -> ()
    %mul3A_13 = arith.constant 80 : i32
    %mul3A_14 = arith.muli %add3A, %mul3A_13 : i32
    "tpu.region"() ({
      %run_scoped3A = tpu.sem_alloc : memref<!tpu.dma_semaphore, #tpu.memory_space<semaphore_mem>>
      %dma_start3A_53 = arith.constant 0 : i32
      %dma_start3A_54 = tpu.memref_slice %arg3[%mul3A_14, %dma_start3A_53] : memref<2560x128xi32, #tpu.memory_space<hbm>> -> memref<80x128xi32, #tpu.memory_space<hbm>>
      %dma_start3A_55 = arith.constant 0 : i32
      %dma_start3A_56 = tpu.memref_slice %arg3[%mul3A_14, %dma_start3A_55] : memref<2560x128xi32, #tpu.memory_space<hbm>> -> memref<80x128xi32, #tpu.memory_space<hbm>>
      tpu.enqueue_dma source(%dma_start3A_56 : memref<80x128xi32, #tpu.memory_space<hbm>>) target(%arg7 : memref<80x128xi32, #tpu.memory_space<vmem>>) target_semaphore(%run_scoped3A : memref<!tpu.dma_semaphore, #tpu.memory_space<semaphore_mem>>)
      %dma_wait3A = arith.constant 0 : i32
      %dma_wait3A_57 = tpu.memref_slice %arg3[%mul3A_14, %dma_wait3A] : memref<2560x128xi32, #tpu.memory_space<hbm>> -> memref<80x128xi32, #tpu.memory_space<hbm>>
      %dma_wait3A_58 = arith.constant 0 : i32
      %dma_wait3A_59 = tpu.memref_slice %arg3[%mul3A_14, %dma_wait3A_58] : memref<2560x128xi32, #tpu.memory_space<hbm>> -> memref<80x128xi32, #tpu.memory_space<hbm>>
      tpu.wait_dma2 semaphore(%run_scoped3A : memref<!tpu.dma_semaphore, #tpu.memory_space<semaphore_mem>>) src(%dma_wait3A_59 : memref<80x128xi32, #tpu.memory_space<hbm>>) dst(%arg7 : memref<80x128xi32, #tpu.memory_space<vmem>>)
      tpu.yield
    }) : () -> ()
    %mul3A_15 = arith.constant 80 : i32
    %mul3A_16 = arith.muli %add3A, %mul3A_15 : i32
    "tpu.region"() ({
      %run_scoped3A = tpu.sem_alloc : memref<!tpu.dma_semaphore, #tpu.memory_space<semaphore_mem>>
      %dma_start3A_53 = arith.constant 0 : i32
      %dma_start3A_54 = tpu.memref_slice %arg4[%mul3A_16, %dma_start3A_53] : memref<2560x128xi32, #tpu.memory_space<hbm>> -> memref<80x128xi32, #tpu.memory_space<hbm>>
      %dma_start3A_55 = arith.constant 0 : i32
      %dma_start3A_56 = tpu.memref_slice %arg4[%mul3A_16, %dma_start3A_55] : memref<2560x128xi32, #tpu.memory_space<hbm>> -> memref<80x128xi32, #tpu.memory_space<hbm>>
      tpu.enqueue_dma source(%dma_start3A_56 : memref<80x128xi32, #tpu.memory_space<hbm>>) target(%arg8 : memref<80x128xi32, #tpu.memory_space<vmem>>) target_semaphore(%run_scoped3A : memref<!tpu.dma_semaphore, #tpu.memory_space<semaphore_mem>>)
      %dma_wait3A = arith.constant 0 : i32
      %dma_wait3A_57 = tpu.memref_slice %arg4[%mul3A_16, %dma_wait3A] : memref<2560x128xi32, #tpu.memory_space<hbm>> -> memref<80x128xi32, #tpu.memory_space<hbm>>
      %dma_wait3A_58 = arith.constant 0 : i32
      %dma_wait3A_59 = tpu.memref_slice %arg4[%mul3A_16, %dma_wait3A_58] : memref<2560x128xi32, #tpu.memory_space<hbm>> -> memref<80x128xi32, #tpu.memory_space<hbm>>
      tpu.wait_dma2 semaphore(%run_scoped3A : memref<!tpu.dma_semaphore, #tpu.memory_space<semaphore_mem>>) src(%dma_wait3A_59 : memref<80x128xi32, #tpu.memory_space<hbm>>) dst(%arg8 : memref<80x128xi32, #tpu.memory_space<vmem>>)
      tpu.yield
    }) : () -> ()
    %barrier3A = arith.constant 0 : index
    tpu.barrier barrier_id(%barrier3A)
    %dma_start3A = arith.constant 0 : i32
    %dma_start3A_17 = arith.constant 0 : i32
    %dma_start3A_18 = tpu.memref_slice %arg7[%dma_start3A, %dma_start3A_17] : memref<80x128xi32, #tpu.memory_space<vmem>> -> memref<1x128xi32, #tpu.memory_space<vmem>>
    %dma_start3A_19 = tpu.memref_squeeze %dma_start3A_18 : memref<1x128xi32, #tpu.memory_space<vmem>> -> memref<128xi32, #tpu.memory_space<vmem>>
    %dma_start3A_20 = arith.constant 0 : i32
    %dma_start3A_21 = arith.constant 0 : i32
    %dma_start3A_22 = tpu.memref_slice %arg2[%dma_start3A_20, %dma_start3A_21] : memref<10240x16xf32, #tpu.memory_space<hbm>> -> memref<10240x16xf32, #tpu.memory_space<hbm>>
    tpu.enqueue_indirect_dma source(%dma_start3A_22 : memref<10240x16xf32, #tpu.memory_space<hbm>>) target(%arg9 : memref<128x16xf32, #tpu.memory_space<vmem>>) offsets(%dma_start3A_19 : memref<128xi32, #tpu.memory_space<vmem>>) semaphore(%arg14 : memref<!tpu.dma_semaphore, #tpu.memory_space<semaphore_mem>>)
    %dma_start3A_23 = arith.constant 1 : i32
    %dma_start3A_24 = arith.constant 0 : i32
    %dma_start3A_25 = tpu.memref_slice %arg7[%dma_start3A_23, %dma_start3A_24] : memref<80x128xi32, #tpu.memory_space<vmem>> -> memref<1x128xi32, #tpu.memory_space<vmem>>
    %dma_start3A_26 = tpu.memref_squeeze %dma_start3A_25 : memref<1x128xi32, #tpu.memory_space<vmem>> -> memref<128xi32, #tpu.memory_space<vmem>>
    %dma_start3A_27 = arith.constant 0 : i32
    %dma_start3A_28 = arith.constant 0 : i32
    %dma_start3A_29 = tpu.memref_slice %arg2[%dma_start3A_27, %dma_start3A_28] : memref<10240x16xf32, #tpu.memory_space<hbm>> -> memref<10240x16xf32, #tpu.memory_space<hbm>>
    tpu.enqueue_indirect_dma source(%dma_start3A_29 : memref<10240x16xf32, #tpu.memory_space<hbm>>) target(%arg10 : memref<128x16xf32, #tpu.memory_space<vmem>>) offsets(%dma_start3A_26 : memref<128xi32, #tpu.memory_space<vmem>>) semaphore(%arg15 : memref<!tpu.dma_semaphore, #tpu.memory_space<semaphore_mem>>)
    %dma_start3A_30 = arith.constant 2 : i32
    %dma_start3A_31 = arith.constant 0 : i32
    %dma_start3A_32 = tpu.memref_slice %arg7[%dma_start3A_30, %dma_start3A_31] : memref<80x128xi32, #tpu.memory_space<vmem>> -> memref<1x128xi32, #tpu.memory_space<vmem>>
    %dma_start3A_33 = tpu.memref_squeeze %dma_start3A_32 : memref<1x128xi32, #tpu.memory_space<vmem>> -> memref<128xi32, #tpu.memory_space<vmem>>
    %dma_start3A_34 = arith.constant 0 : i32
    %dma_start3A_35 = arith.constant 0 : i32
    %dma_start3A_36 = tpu.memref_slice %arg2[%dma_start3A_34, %dma_start3A_35] : memref<10240x16xf32, #tpu.memory_space<hbm>> -> memref<10240x16xf32, #tpu.memory_space<hbm>>
    tpu.enqueue_indirect_dma source(%dma_start3A_36 : memref<10240x16xf32, #tpu.memory_space<hbm>>) target(%arg11 : memref<128x16xf32, #tpu.memory_space<vmem>>) offsets(%dma_start3A_33 : memref<128xi32, #tpu.memory_space<vmem>>) semaphore(%arg16 : memref<!tpu.dma_semaphore, #tpu.memory_space<semaphore_mem>>)
    %dma_start3A_37 = arith.constant 3 : i32
    %dma_start3A_38 = arith.constant 0 : i32
    %dma_start3A_39 = tpu.memref_slice %arg7[%dma_start3A_37, %dma_start3A_38] : memref<80x128xi32, #tpu.memory_space<vmem>> -> memref<1x128xi32, #tpu.memory_space<vmem>>
    %dma_start3A_40 = tpu.memref_squeeze %dma_start3A_39 : memref<1x128xi32, #tpu.memory_space<vmem>> -> memref<128xi32, #tpu.memory_space<vmem>>
    %dma_start3A_41 = arith.constant 0 : i32
    %dma_start3A_42 = arith.constant 0 : i32
    %dma_start3A_43 = tpu.memref_slice %arg2[%dma_start3A_41, %dma_start3A_42] : memref<10240x16xf32, #tpu.memory_space<hbm>> -> memref<10240x16xf32, #tpu.memory_space<hbm>>
    tpu.enqueue_indirect_dma source(%dma_start3A_43 : memref<10240x16xf32, #tpu.memory_space<hbm>>) target(%arg12 : memref<128x16xf32, #tpu.memory_space<vmem>>) offsets(%dma_start3A_40 : memref<128xi32, #tpu.memory_space<vmem>>) semaphore(%arg17 : memref<!tpu.dma_semaphore, #tpu.memory_space<semaphore_mem>>)
    %scan3A = arith.constant 0 : i32
    %scan3A_44 = arith.constant 0 : i32
    %scan3A_45 = arith.constant 20 : i32
    %scan3A_46 = arith.addi %scan3A_44, %scan3A_45 : i32
    %scan3A_47 = arith.constant 1 : i32
    scf.for %scan3A_53 = %scan3A_44 to %scan3A_46 step %scan3A_47  : i32 {
      %mul3A_54 = arith.constant 4 : i32
      %mul3A_55 = arith.muli %scan3A_53, %mul3A_54 : i32
      %add3A_56 = arith.constant 0 : i32
      %add3A_57 = arith.addi %mul3A_55, %add3A_56 : i32
      %dma_wait3A = arith.constant 0 : i32
      %dma_wait3A_58 = tpu.memref_slice %arg7[%add3A_57, %dma_wait3A] : memref<80x128xi32, #tpu.memory_space<vmem>> -> memref<1x128xi32, #tpu.memory_space<vmem>>
      %dma_wait3A_59 = tpu.memref_squeeze %dma_wait3A_58 : memref<1x128xi32, #tpu.memory_space<vmem>> -> memref<128xi32, #tpu.memory_space<vmem>>
      %dma_wait3A_60 = arith.constant 0 : i32
      %dma_wait3A_61 = arith.constant 0 : i32
      %dma_wait3A_62 = tpu.memref_slice %arg2[%dma_wait3A_60, %dma_wait3A_61] : memref<10240x16xf32, #tpu.memory_space<hbm>> -> memref<10240x16xf32, #tpu.memory_space<hbm>>
      tpu.wait_indirect_dma semaphore(%arg14 : memref<!tpu.dma_semaphore, #tpu.memory_space<semaphore_mem>>) src(%dma_wait3A_62 : memref<10240x16xf32, #tpu.memory_space<hbm>>) dst(%arg9 : memref<128x16xf32, #tpu.memory_space<vmem>>)
      "tpu.region"() ({
        %run_scoped3A = tpu.sem_alloc : memref<!tpu.dma_semaphore, #tpu.memory_space<semaphore_mem>>
        %dma_start3A_112 = arith.constant 0 : i32
        %dma_start3A_113 = tpu.memref_slice %arg8[%add3A_57, %dma_start3A_112] : memref<80x128xi32, #tpu.memory_space<vmem>> -> memref<1x128xi32, #tpu.memory_space<vmem>>
        %dma_start3A_114 = tpu.memref_squeeze %dma_start3A_113 : memref<1x128xi32, #tpu.memory_space<vmem>> -> memref<128xi32, #tpu.memory_space<vmem>>
        %dma_start3A_115 = arith.constant 0 : i32
        %dma_start3A_116 = arith.constant 0 : i32
        %dma_start3A_117 = tpu.memref_slice %arg13[%dma_start3A_115, %dma_start3A_116] : memref<10240x16xf32, #tpu.memory_space<vmem_shared>> -> memref<10240x16xf32, #tpu.memory_space<vmem_shared>>
        tpu.enqueue_indirect_dma source(%arg9 : memref<128x16xf32, #tpu.memory_space<vmem>>) target(%dma_start3A_117 : memref<10240x16xf32, #tpu.memory_space<vmem_shared>>) offsets(%dma_start3A_114 : memref<128xi32, #tpu.memory_space<vmem>>) semaphore(%run_scoped3A : memref<!tpu.dma_semaphore, #tpu.memory_space<semaphore_mem>>) {add = true}
        %dma_wait3A_118 = arith.constant 0 : i32
        %dma_wait3A_119 = tpu.memref_slice %arg8[%add3A_57, %dma_wait3A_118] : memref<80x128xi32, #tpu.memory_space<vmem>> -> memref<1x128xi32, #tpu.memory_space<vmem>>
        %dma_wait3A_120 = tpu.memref_squeeze %dma_wait3A_119 : memref<1x128xi32, #tpu.memory_space<vmem>> -> memref<128xi32, #tpu.memory_space<vmem>>
        %dma_wait3A_121 = arith.constant 0 : i32
        %dma_wait3A_122 = arith.constant 0 : i32
        %dma_wait3A_123 = tpu.memref_slice %arg13[%dma_wait3A_121, %dma_wait3A_122] : memref<10240x16xf32, #tpu.memory_space<vmem_shared>> -> memref<10240x16xf32, #tpu.memory_space<vmem_shared>>
        tpu.wait_indirect_dma semaphore(%run_scoped3A : memref<!tpu.dma_semaphore, #tpu.memory_space<semaphore_mem>>) src(%arg9 : memref<128x16xf32, #tpu.memory_space<vmem>>) dst(%dma_wait3A_123 : memref<10240x16xf32, #tpu.memory_space<vmem_shared>>)
        tpu.yield
      }) : () -> ()
      %add3A_63 = arith.constant 4 : i32
      %add3A_64 = arith.addi %add3A_57, %add3A_63 : i32
      %lt3A = arith.constant 80 : i32
      %lt3A_65 = arith.cmpi slt, %add3A_64, %lt3A : i32
      %convert_element_type3A = arith.extui %lt3A_65 : i1 to i32
      %cond3A = arith.constant 0 : i32
      %cond3A_66 = arith.cmpi ne, %convert_element_type3A, %cond3A : i32
      scf.if %cond3A_66 {
        %add3A_112 = arith.constant 4 : i32
        %add3A_113 = arith.addi %add3A_57, %add3A_112 : i32
        %dma_start3A_114 = arith.constant 0 : i32
        %dma_start3A_115 = tpu.memref_slice %arg7[%add3A_113, %dma_start3A_114] : memref<80x128xi32, #tpu.memory_space<vmem>> -> memref<1x128xi32, #tpu.memory_space<vmem>>
        %dma_start3A_116 = tpu.memref_squeeze %dma_start3A_115 : memref<1x128xi32, #tpu.memory_space<vmem>> -> memref<128xi32, #tpu.memory_space<vmem>>
        %dma_start3A_117 = arith.constant 0 : i32
        %dma_start3A_118 = arith.constant 0 : i32
        %dma_start3A_119 = tpu.memref_slice %arg2[%dma_start3A_117, %dma_start3A_118] : memref<10240x16xf32, #tpu.memory_space<hbm>> -> memref<10240x16xf32, #tpu.memory_space<hbm>>
        tpu.enqueue_indirect_dma source(%dma_start3A_119 : memref<10240x16xf32, #tpu.memory_space<hbm>>) target(%arg9 : memref<128x16xf32, #tpu.memory_space<vmem>>) offsets(%dma_start3A_116 : memref<128xi32, #tpu.memory_space<vmem>>) semaphore(%arg14 : memref<!tpu.dma_semaphore, #tpu.memory_space<semaphore_mem>>)
      } else {
      }
      %add3A_67 = arith.constant 1 : i32
      %add3A_68 = arith.addi %mul3A_55, %add3A_67 : i32
      %dma_wait3A_69 = arith.constant 0 : i32
      %dma_wait3A_70 = tpu.memref_slice %arg7[%add3A_68, %dma_wait3A_69] : memref<80x128xi32, #tpu.memory_space<vmem>> -> memref<1x128xi32, #tpu.memory_space<vmem>>
      %dma_wait3A_71 = tpu.memref_squeeze %dma_wait3A_70 : memref<1x128xi32, #tpu.memory_space<vmem>> -> memref<128xi32, #tpu.memory_space<vmem>>
      %dma_wait3A_72 = arith.constant 0 : i32
      %dma_wait3A_73 = arith.constant 0 : i32
      %dma_wait3A_74 = tpu.memref_slice %arg2[%dma_wait3A_72, %dma_wait3A_73] : memref<10240x16xf32, #tpu.memory_space<hbm>> -> memref<10240x16xf32, #tpu.memory_space<hbm>>
      tpu.wait_indirect_dma semaphore(%arg15 : memref<!tpu.dma_semaphore, #tpu.memory_space<semaphore_mem>>) src(%dma_wait3A_74 : memref<10240x16xf32, #tpu.memory_space<hbm>>) dst(%arg10 : memref<128x16xf32, #tpu.memory_space<vmem>>)
      "tpu.region"() ({
        %run_scoped3A = tpu.sem_alloc : memref<!tpu.dma_semaphore, #tpu.memory_space<semaphore_mem>>
        %dma_start3A_112 = arith.constant 0 : i32
        %dma_start3A_113 = tpu.memref_slice %arg8[%add3A_68, %dma_start3A_112] : memref<80x128xi32, #tpu.memory_space<vmem>> -> memref<1x128xi32, #tpu.memory_space<vmem>>
        %dma_start3A_114 = tpu.memref_squeeze %dma_start3A_113 : memref<1x128xi32, #tpu.memory_space<vmem>> -> memref<128xi32, #tpu.memory_space<vmem>>
        %dma_start3A_115 = arith.constant 0 : i32
        %dma_start3A_116 = arith.constant 0 : i32
        %dma_start3A_117 = tpu.memref_slice %arg13[%dma_start3A_115, %dma_start3A_116] : memref<10240x16xf32, #tpu.memory_space<vmem_shared>> -> memref<10240x16xf32, #tpu.memory_space<vmem_shared>>
        tpu.enqueue_indirect_dma source(%arg10 : memref<128x16xf32, #tpu.memory_space<vmem>>) target(%dma_start3A_117 : memref<10240x16xf32, #tpu.memory_space<vmem_shared>>) offsets(%dma_start3A_114 : memref<128xi32, #tpu.memory_space<vmem>>) semaphore(%run_scoped3A : memref<!tpu.dma_semaphore, #tpu.memory_space<semaphore_mem>>) {add = true}
        %dma_wait3A_118 = arith.constant 0 : i32
        %dma_wait3A_119 = tpu.memref_slice %arg8[%add3A_68, %dma_wait3A_118] : memref<80x128xi32, #tpu.memory_space<vmem>> -> memref<1x128xi32, #tpu.memory_space<vmem>>
        %dma_wait3A_120 = tpu.memref_squeeze %dma_wait3A_119 : memref<1x128xi32, #tpu.memory_space<vmem>> -> memref<128xi32, #tpu.memory_space<vmem>>
        %dma_wait3A_121 = arith.constant 0 : i32
        %dma_wait3A_122 = arith.constant 0 : i32
        %dma_wait3A_123 = tpu.memref_slice %arg13[%dma_wait3A_121, %dma_wait3A_122] : memref<10240x16xf32, #tpu.memory_space<vmem_shared>> -> memref<10240x16xf32, #tpu.memory_space<vmem_shared>>
        tpu.wait_indirect_dma semaphore(%run_scoped3A : memref<!tpu.dma_semaphore, #tpu.memory_space<semaphore_mem>>) src(%arg10 : memref<128x16xf32, #tpu.memory_space<vmem>>) dst(%dma_wait3A_123 : memref<10240x16xf32, #tpu.memory_space<vmem_shared>>)
        tpu.yield
      }) : () -> ()
      %add3A_75 = arith.constant 4 : i32
      %add3A_76 = arith.addi %add3A_68, %add3A_75 : i32
      %lt3A_77 = arith.constant 80 : i32
      %lt3A_78 = arith.cmpi slt, %add3A_76, %lt3A_77 : i32
      %convert_element_type3A_79 = arith.extui %lt3A_78 : i1 to i32
      %cond3A_80 = arith.constant 0 : i32
      %cond3A_81 = arith.cmpi ne, %convert_element_type3A_79, %cond3A_80 : i32
      scf.if %cond3A_81 {
        %add3A_112 = arith.constant 4 : i32
        %add3A_113 = arith.addi %add3A_68, %add3A_112 : i32
        %dma_start3A_114 = arith.constant 0 : i32
        %dma_start3A_115 = tpu.memref_slice %arg7[%add3A_113, %dma_start3A_114] : memref<80x128xi32, #tpu.memory_space<vmem>> -> memref<1x128xi32, #tpu.memory_space<vmem>>
        %dma_start3A_116 = tpu.memref_squeeze %dma_start3A_115 : memref<1x128xi32, #tpu.memory_space<vmem>> -> memref<128xi32, #tpu.memory_space<vmem>>
        %dma_start3A_117 = arith.constant 0 : i32
        %dma_start3A_118 = arith.constant 0 : i32
        %dma_start3A_119 = tpu.memref_slice %arg2[%dma_start3A_117, %dma_start3A_118] : memref<10240x16xf32, #tpu.memory_space<hbm>> -> memref<10240x16xf32, #tpu.memory_space<hbm>>
        tpu.enqueue_indirect_dma source(%dma_start3A_119 : memref<10240x16xf32, #tpu.memory_space<hbm>>) target(%arg10 : memref<128x16xf32, #tpu.memory_space<vmem>>) offsets(%dma_start3A_116 : memref<128xi32, #tpu.memory_space<vmem>>) semaphore(%arg15 : memref<!tpu.dma_semaphore, #tpu.memory_space<semaphore_mem>>)
      } else {
      }
      %add3A_82 = arith.constant 2 : i32
      %add3A_83 = arith.addi %mul3A_55, %add3A_82 : i32
      %dma_wait3A_84 = arith.constant 0 : i32
      %dma_wait3A_85 = tpu.memref_slice %arg7[%add3A_83, %dma_wait3A_84] : memref<80x128xi32, #tpu.memory_space<vmem>> -> memref<1x128xi32, #tpu.memory_space<vmem>>
      %dma_wait3A_86 = tpu.memref_squeeze %dma_wait3A_85 : memref<1x128xi32, #tpu.memory_space<vmem>> -> memref<128xi32, #tpu.memory_space<vmem>>
      %dma_wait3A_87 = arith.constant 0 : i32
      %dma_wait3A_88 = arith.constant 0 : i32
      %dma_wait3A_89 = tpu.memref_slice %arg2[%dma_wait3A_87, %dma_wait3A_88] : memref<10240x16xf32, #tpu.memory_space<hbm>> -> memref<10240x16xf32, #tpu.memory_space<hbm>>
      tpu.wait_indirect_dma semaphore(%arg16 : memref<!tpu.dma_semaphore, #tpu.memory_space<semaphore_mem>>) src(%dma_wait3A_89 : memref<10240x16xf32, #tpu.memory_space<hbm>>) dst(%arg11 : memref<128x16xf32, #tpu.memory_space<vmem>>)
      "tpu.region"() ({
        %run_scoped3A = tpu.sem_alloc : memref<!tpu.dma_semaphore, #tpu.memory_space<semaphore_mem>>
        %dma_start3A_112 = arith.constant 0 : i32
        %dma_start3A_113 = tpu.memref_slice %arg8[%add3A_83, %dma_start3A_112] : memref<80x128xi32, #tpu.memory_space<vmem>> -> memref<1x128xi32, #tpu.memory_space<vmem>>
        %dma_start3A_114 = tpu.memref_squeeze %dma_start3A_113 : memref<1x128xi32, #tpu.memory_space<vmem>> -> memref<128xi32, #tpu.memory_space<vmem>>
        %dma_start3A_115 = arith.constant 0 : i32
        %dma_start3A_116 = arith.constant 0 : i32
        %dma_start3A_117 = tpu.memref_slice %arg13[%dma_start3A_115, %dma_start3A_116] : memref<10240x16xf32, #tpu.memory_space<vmem_shared>> -> memref<10240x16xf32, #tpu.memory_space<vmem_shared>>
        tpu.enqueue_indirect_dma source(%arg11 : memref<128x16xf32, #tpu.memory_space<vmem>>) target(%dma_start3A_117 : memref<10240x16xf32, #tpu.memory_space<vmem_shared>>) offsets(%dma_start3A_114 : memref<128xi32, #tpu.memory_space<vmem>>) semaphore(%run_scoped3A : memref<!tpu.dma_semaphore, #tpu.memory_space<semaphore_mem>>) {add = true}
        %dma_wait3A_118 = arith.constant 0 : i32
        %dma_wait3A_119 = tpu.memref_slice %arg8[%add3A_83, %dma_wait3A_118] : memref<80x128xi32, #tpu.memory_space<vmem>> -> memref<1x128xi32, #tpu.memory_space<vmem>>
        %dma_wait3A_120 = tpu.memref_squeeze %dma_wait3A_119 : memref<1x128xi32, #tpu.memory_space<vmem>> -> memref<128xi32, #tpu.memory_space<vmem>>
        %dma_wait3A_121 = arith.constant 0 : i32
        %dma_wait3A_122 = arith.constant 0 : i32
        %dma_wait3A_123 = tpu.memref_slice %arg13[%dma_wait3A_121, %dma_wait3A_122] : memref<10240x16xf32, #tpu.memory_space<vmem_shared>> -> memref<10240x16xf32, #tpu.memory_space<vmem_shared>>
        tpu.wait_indirect_dma semaphore(%run_scoped3A : memref<!tpu.dma_semaphore, #tpu.memory_space<semaphore_mem>>) src(%arg11 : memref<128x16xf32, #tpu.memory_space<vmem>>) dst(%dma_wait3A_123 : memref<10240x16xf32, #tpu.memory_space<vmem_shared>>)
        tpu.yield
      }) : () -> ()
      %add3A_90 = arith.constant 4 : i32
      %add3A_91 = arith.addi %add3A_83, %add3A_90 : i32
      %lt3A_92 = arith.constant 80 : i32
      %lt3A_93 = arith.cmpi slt, %add3A_91, %lt3A_92 : i32
      %convert_element_type3A_94 = arith.extui %lt3A_93 : i1 to i32
      %cond3A_95 = arith.constant 0 : i32
      %cond3A_96 = arith.cmpi ne, %convert_element_type3A_94, %cond3A_95 : i32
      scf.if %cond3A_96 {
        %add3A_112 = arith.constant 4 : i32
        %add3A_113 = arith.addi %add3A_83, %add3A_112 : i32
        %dma_start3A_114 = arith.constant 0 : i32
        %dma_start3A_115 = tpu.memref_slice %arg7[%add3A_113, %dma_start3A_114] : memref<80x128xi32, #tpu.memory_space<vmem>> -> memref<1x128xi32, #tpu.memory_space<vmem>>
        %dma_start3A_116 = tpu.memref_squeeze %dma_start3A_115 : memref<1x128xi32, #tpu.memory_space<vmem>> -> memref<128xi32, #tpu.memory_space<vmem>>
        %dma_start3A_117 = arith.constant 0 : i32
        %dma_start3A_118 = arith.constant 0 : i32
        %dma_start3A_119 = tpu.memref_slice %arg2[%dma_start3A_117, %dma_start3A_118] : memref<10240x16xf32, #tpu.memory_space<hbm>> -> memref<10240x16xf32, #tpu.memory_space<hbm>>
        tpu.enqueue_indirect_dma source(%dma_start3A_119 : memref<10240x16xf32, #tpu.memory_space<hbm>>) target(%arg11 : memref<128x16xf32, #tpu.memory_space<vmem>>) offsets(%dma_start3A_116 : memref<128xi32, #tpu.memory_space<vmem>>) semaphore(%arg16 : memref<!tpu.dma_semaphore, #tpu.memory_space<semaphore_mem>>)
      } else {
      }
      %add3A_97 = arith.constant 3 : i32
      %add3A_98 = arith.addi %mul3A_55, %add3A_97 : i32
      %dma_wait3A_99 = arith.constant 0 : i32
      %dma_wait3A_100 = tpu.memref_slice %arg7[%add3A_98, %dma_wait3A_99] : memref<80x128xi32, #tpu.memory_space<vmem>> -> memref<1x128xi32, #tpu.memory_space<vmem>>
      %dma_wait3A_101 = tpu.memref_squeeze %dma_wait3A_100 : memref<1x128xi32, #tpu.memory_space<vmem>> -> memref<128xi32, #tpu.memory_space<vmem>>
      %dma_wait3A_102 = arith.constant 0 : i32
      %dma_wait3A_103 = arith.constant 0 : i32
      %dma_wait3A_104 = tpu.memref_slice %arg2[%dma_wait3A_102, %dma_wait3A_103] : memref<10240x16xf32, #tpu.memory_space<hbm>> -> memref<10240x16xf32, #tpu.memory_space<hbm>>
      tpu.wait_indirect_dma semaphore(%arg17 : memref<!tpu.dma_semaphore, #tpu.memory_space<semaphore_mem>>) src(%dma_wait3A_104 : memref<10240x16xf32, #tpu.memory_space<hbm>>) dst(%arg12 : memref<128x16xf32, #tpu.memory_space<vmem>>)
      "tpu.region"() ({
        %run_scoped3A = tpu.sem_alloc : memref<!tpu.dma_semaphore, #tpu.memory_space<semaphore_mem>>
        %dma_start3A_112 = arith.constant 0 : i32
        %dma_start3A_113 = tpu.memref_slice %arg8[%add3A_98, %dma_start3A_112] : memref<80x128xi32, #tpu.memory_space<vmem>> -> memref<1x128xi32, #tpu.memory_space<vmem>>
        %dma_start3A_114 = tpu.memref_squeeze %dma_start3A_113 : memref<1x128xi32, #tpu.memory_space<vmem>> -> memref<128xi32, #tpu.memory_space<vmem>>
        %dma_start3A_115 = arith.constant 0 : i32
        %dma_start3A_116 = arith.constant 0 : i32
        %dma_start3A_117 = tpu.memref_slice %arg13[%dma_start3A_115, %dma_start3A_116] : memref<10240x16xf32, #tpu.memory_space<vmem_shared>> -> memref<10240x16xf32, #tpu.memory_space<vmem_shared>>
        tpu.enqueue_indirect_dma source(%arg12 : memref<128x16xf32, #tpu.memory_space<vmem>>) target(%dma_start3A_117 : memref<10240x16xf32, #tpu.memory_space<vmem_shared>>) offsets(%dma_start3A_114 : memref<128xi32, #tpu.memory_space<vmem>>) semaphore(%run_scoped3A : memref<!tpu.dma_semaphore, #tpu.memory_space<semaphore_mem>>) {add = true}
        %dma_wait3A_118 = arith.constant 0 : i32
        %dma_wait3A_119 = tpu.memref_slice %arg8[%add3A_98, %dma_wait3A_118] : memref<80x128xi32, #tpu.memory_space<vmem>> -> memref<1x128xi32, #tpu.memory_space<vmem>>
        %dma_wait3A_120 = tpu.memref_squeeze %dma_wait3A_119 : memref<1x128xi32, #tpu.memory_space<vmem>> -> memref<128xi32, #tpu.memory_space<vmem>>
        %dma_wait3A_121 = arith.constant 0 : i32
        %dma_wait3A_122 = arith.constant 0 : i32
        %dma_wait3A_123 = tpu.memref_slice %arg13[%dma_wait3A_121, %dma_wait3A_122] : memref<10240x16xf32, #tpu.memory_space<vmem_shared>> -> memref<10240x16xf32, #tpu.memory_space<vmem_shared>>
        tpu.wait_indirect_dma semaphore(%run_scoped3A : memref<!tpu.dma_semaphore, #tpu.memory_space<semaphore_mem>>) src(%arg12 : memref<128x16xf32, #tpu.memory_space<vmem>>) dst(%dma_wait3A_123 : memref<10240x16xf32, #tpu.memory_space<vmem_shared>>)
        tpu.yield
      }) : () -> ()
      %add3A_105 = arith.constant 4 : i32
      %add3A_106 = arith.addi %add3A_98, %add3A_105 : i32
      %lt3A_107 = arith.constant 80 : i32
      %lt3A_108 = arith.cmpi slt, %add3A_106, %lt3A_107 : i32
      %convert_element_type3A_109 = arith.extui %lt3A_108 : i1 to i32
      %cond3A_110 = arith.constant 0 : i32
      %cond3A_111 = arith.cmpi ne, %convert_element_type3A_109, %cond3A_110 : i32
      scf.if %cond3A_111 {
        %add3A_112 = arith.constant 4 : i32
        %add3A_113 = arith.addi %add3A_98, %add3A_112 : i32
        %dma_start3A_114 = arith.constant 0 : i32
        %dma_start3A_115 = tpu.memref_slice %arg7[%add3A_113, %dma_start3A_114] : memref<80x128xi32, #tpu.memory_space<vmem>> -> memref<1x128xi32, #tpu.memory_space<vmem>>
        %dma_start3A_116 = tpu.memref_squeeze %dma_start3A_115 : memref<1x128xi32, #tpu.memory_space<vmem>> -> memref<128xi32, #tpu.memory_space<vmem>>
        %dma_start3A_117 = arith.constant 0 : i32
        %dma_start3A_118 = arith.constant 0 : i32
        %dma_start3A_119 = tpu.memref_slice %arg2[%dma_start3A_117, %dma_start3A_118] : memref<10240x16xf32, #tpu.memory_space<hbm>> -> memref<10240x16xf32, #tpu.memory_space<hbm>>
        tpu.enqueue_indirect_dma source(%dma_start3A_119 : memref<10240x16xf32, #tpu.memory_space<hbm>>) target(%arg12 : memref<128x16xf32, #tpu.memory_space<vmem>>) offsets(%dma_start3A_116 : memref<128xi32, #tpu.memory_space<vmem>>) semaphore(%arg17 : memref<!tpu.dma_semaphore, #tpu.memory_space<semaphore_mem>>)
      } else {
      }
    }
    %scan3A_48 = arith.constant 20 : i32
    %barrier3A_49 = arith.constant 0 : index
    tpu.barrier barrier_id(%barrier3A_49)
    %mul3A_50 = arith.constant 10240 : i32
    %mul3A_51 = arith.muli %arg0, %mul3A_50 : i32
    %add3A_52 = arith.addi %mul3A_51, %mul3A_2 : i32
    "tpu.region"() ({
      %run_scoped3A = tpu.sem_alloc : memref<!tpu.dma_semaphore, #tpu.memory_space<semaphore_mem>>
      %dma_start3A_53 = arith.constant 0 : i32
      %dma_start3A_54 = tpu.memref_slice %arg6[%add3A_52, %dma_start3A_53] : memref<20480x16xf32, #tpu.memory_space<hbm>> -> memref<640x16xf32, #tpu.memory_space<hbm>>
      %dma_start3A_55 = arith.constant 0 : i32
      %dma_start3A_56 = tpu.memref_slice %arg13[%mul3A_2, %dma_start3A_55] : memref<10240x16xf32, #tpu.memory_space<vmem_shared>> -> memref<640x16xf32, #tpu.memory_space<vmem_shared>>
      tpu.enqueue_dma source(%dma_start3A_56 : memref<640x16xf32, #tpu.memory_space<vmem_shared>>) target(%dma_start3A_54 : memref<640x16xf32, #tpu.memory_space<hbm>>) target_semaphore(%run_scoped3A : memref<!tpu.dma_semaphore, #tpu.memory_space<semaphore_mem>>)
      %dma_wait3A = arith.constant 0 : i32
      %dma_wait3A_57 = tpu.memref_slice %arg6[%add3A_52, %dma_wait3A] : memref<20480x16xf32, #tpu.memory_space<hbm>> -> memref<640x16xf32, #tpu.memory_space<hbm>>
      %dma_wait3A_58 = arith.constant 0 : i32
      %dma_wait3A_59 = tpu.memref_slice %arg13[%mul3A_2, %dma_wait3A_58] : memref<10240x16xf32, #tpu.memory_space<vmem_shared>> -> memref<640x16xf32, #tpu.memory_space<vmem_shared>>
      tpu.wait_dma2 semaphore(%run_scoped3A : memref<!tpu.dma_semaphore, #tpu.memory_space<semaphore_mem>>) src(%dma_wait3A_59 : memref<640x16xf32, #tpu.memory_space<vmem_shared>>) dst(%dma_wait3A_57 : memref<640x16xf32, #tpu.memory_space<hbm>>)
      tpu.yield
    }) : () -> ()
    return
  }
}

module attributes {stable_mosaic.version = 14 : i64} {
  func.func @body(%arg0: i32, %arg1: memref<2000x1xf32, #tpu.memory_space<vmem>>, %arg2: memref<2000x1xf32, #tpu.memory_space<vmem>>, %arg3: memref<2000x512xf32, #tpu.memory_space<vmem>>, %arg4: memref<512x16xf32, #tpu.memory_space<vmem>>, %arg5: memref<2000x1xf32, #tpu.memory_space<vmem>>, %arg6: memref<2000x16xf32, #tpu.memory_space<vmem>>, %arg7: memref<2000x1xf32, #tpu.memory_space<vmem>>) attributes {dimension_semantics = [#tpu.dimension_semantics<arbitrary>], iteration_bounds = array<i64: 5>, scalar_prefetch = 0 : i64, scratch_operands = 0 : i64, tpu.core_type = #tpu.core_type<tc>, window_params = [{transform_indices = @transform_0, window_bounds = array<i64: 2000, 1>}, {transform_indices = @transform_1, window_bounds = array<i64: 2000, 1>}, {transform_indices = @transform_2, window_bounds = array<i64: 2000, 512>}, {pipeline_mode = #tpu.pipeline_mode<synchronous>, transform_indices = @transform_3, window_bounds = array<i64: 512, 16>}, {transform_indices = @transform_4, window_bounds = array<i64: 2000, 1>}, {transform_indices = @transform_5, window_bounds = array<i64: 2000, 16>}, {transform_indices = @transform_6, window_bounds = array<i64: 2000, 1>}]} {
    %get3A = arith.constant 0 : index
    %get3A_0 = arith.constant 0 : index
    %get3A_1 = vector.load %arg1[%get3A, %get3A_0] : memref<2000x1xf32, #tpu.memory_space<vmem>>, vector<2000x1xf32>
    %get3A_2 = arith.constant 0 : index
    %get3A_3 = arith.constant 0 : index
    %get3A_4 = vector.load %arg2[%get3A_2, %get3A_3] : memref<2000x1xf32, #tpu.memory_space<vmem>>, vector<2000x1xf32>
    %add3A = arith.addf %get3A_1, %get3A_4 : vector<2000x1xf32>
    %add3A_5 = arith.constant 1.000000e+00 : f32
    %add3A_6 = vector.broadcast %add3A_5 : f32 to vector<2000x1xf32>
    %add3A_7 = arith.addf %add3A, %add3A_6 : vector<2000x1xf32>
    %rsqrt3A = math.rsqrt %add3A_7 : vector<2000x1xf32>
    %get3A_8 = arith.constant 0 : index
    %get3A_9 = arith.constant 0 : index
    %get3A_10 = vector.load %arg3[%get3A_8, %get3A_9] : memref<2000x512xf32, #tpu.memory_space<vmem>>, vector<2000x512xf32>
    %get3A_11 = arith.constant 0 : index
    %get3A_12 = arith.constant 0 : index
    %get3A_13 = vector.load %arg4[%get3A_11, %get3A_12] : memref<512x16xf32, #tpu.memory_space<vmem>>, vector<512x16xf32>
    %dot_general3A = arith.constant dense<0.000000e+00> : vector<2000x16xf32>
    %dot_general3A_14 = tpu.matmul %get3A_10, %get3A_13, %dot_general3A {dimension_numbers = #tpu.dot_dimension_numbers<[1], [0], [0], [1], [0, 0, 1, 1], [], []>, precision = #tpu.contract_precision<fp32>, transpose_lhs_hint = false} : vector<2000x512xf32>, vector<512x16xf32>, vector<2000x16xf32> -> vector<2000x16xf32>
    %get3A_15 = arith.constant 0 : index
    %get3A_16 = arith.constant 0 : index
    %get3A_17 = vector.load %arg5[%get3A_15, %get3A_16] : memref<2000x1xf32, #tpu.memory_space<vmem>>, vector<2000x1xf32>
    %add3A_18 = vector.broadcast %get3A_17 : vector<2000x1xf32> to vector<2000x16xf32>
    %add3A_19 = arith.addf %dot_general3A_14, %add3A_18 : vector<2000x16xf32>
    %mul3A = vector.broadcast %rsqrt3A : vector<2000x1xf32> to vector<2000x16xf32>
    %mul3A_20 = arith.mulf %add3A_19, %mul3A : vector<2000x16xf32>
    %swap3A = arith.constant 0 : index
    %swap3A_21 = arith.constant 0 : index
    %swap3A_22 = vector.load %arg6[%swap3A, %swap3A_21] : memref<2000x16xf32, #tpu.memory_space<vmem>>, vector<2000x16xf32>
    tpu.vector_store %arg6[%swap3A, %swap3A_21], %mul3A_20 {strides = array<i32>} : memref<2000x16xf32, #tpu.memory_space<vmem>>, vector<2000x16xf32>,
    %swap3A_23 = arith.constant 0 : index
    %swap3A_24 = arith.constant 0 : index
    %swap3A_25 = vector.load %arg7[%swap3A_23, %swap3A_24] : memref<2000x1xf32, #tpu.memory_space<vmem>>, vector<2000x1xf32>
    tpu.vector_store %arg7[%swap3A_23, %swap3A_24], %rsqrt3A {strides = array<i32>} : memref<2000x1xf32, #tpu.memory_space<vmem>>, vector<2000x1xf32>,
    return
  }
  func.func @transform_0(%arg0: i32) -> (i32, i32) {
    %c0_i32 = arith.constant 0 : i32
    %c0_i32_0 = arith.constant 0 : i32
    return %arg0, %c0_i32 : i32, i32
  }
  func.func @transform_1(%arg0: i32) -> (i32, i32) {
    %c0_i32 = arith.constant 0 : i32
    %c0_i32_0 = arith.constant 0 : i32
    return %arg0, %c0_i32 : i32, i32
  }
  func.func @transform_2(%arg0: i32) -> (i32, i32) {
    %c0_i32 = arith.constant 0 : i32
    %c0_i32_0 = arith.constant 0 : i32
    return %arg0, %c0_i32 : i32, i32
  }
  func.func @transform_3(%arg0: i32) -> (i32, i32) {
    %c0_i32 = arith.constant 0 : i32
    %c0_i32_0 = arith.constant 0 : i32
    %c0_i32_1 = arith.constant 0 : i32
    return %c0_i32, %c0_i32_0 : i32, i32
  }
  func.func @transform_4(%arg0: i32) -> (i32, i32) {
    %c0_i32 = arith.constant 0 : i32
    %c0_i32_0 = arith.constant 0 : i32
    return %arg0, %c0_i32 : i32, i32
  }
  func.func @transform_5(%arg0: i32) -> (i32, i32) {
    %c0_i32 = arith.constant 0 : i32
    %c0_i32_0 = arith.constant 0 : i32
    return %arg0, %c0_i32 : i32, i32
  }
  func.func @transform_6(%arg0: i32) -> (i32, i32) {
    %c0_i32 = arith.constant 0 : i32
    %c0_i32_0 = arith.constant 0 : i32
    return %arg0, %c0_i32 : i32, i32
  }
}

module attributes {stable_mosaic.version = 14 : i64} {
  func.func @body(%arg0: i32, %arg1: memref<2000x16xf32, #tpu.memory_space<vmem>>, %arg2: memref<2000x16xf32, #tpu.memory_space<vmem>>, %arg3: memref<2000x16xf32, #tpu.memory_space<vmem>>, %arg4: memref<2000x1xf32, #tpu.memory_space<vmem>>, %arg5: memref<2000x32xf32, #tpu.memory_space<vmem>>, %arg6: memref<2000x32xf32, #tpu.memory_space<vmem>>) attributes {dimension_semantics = [#tpu.dimension_semantics<arbitrary>], iteration_bounds = array<i64: 5>, scalar_prefetch = 0 : i64, scratch_operands = 0 : i64, tpu.core_type = #tpu.core_type<tc>, window_params = [{transform_indices = @transform_0, window_bounds = array<i64: 2000, 16>}, {transform_indices = @transform_1, window_bounds = array<i64: 2000, 16>}, {transform_indices = @transform_2, window_bounds = array<i64: 2000, 16>}, {transform_indices = @transform_3, window_bounds = array<i64: 2000, 1>}, {transform_indices = @transform_4, window_bounds = array<i64: 2000, 32>}, {transform_indices = @transform_5, window_bounds = array<i64: 2000, 32>}]} {
    %get3A = arith.constant 0 : index
    %get3A_0 = arith.constant 0 : index
    %get3A_1 = vector.load %arg4[%get3A, %get3A_0] : memref<2000x1xf32, #tpu.memory_space<vmem>>, vector<2000x1xf32>
    %get3A_2 = arith.constant 0 : index
    %get3A_3 = arith.constant 0 : index
    %get3A_4 = vector.load %arg1[%get3A_2, %get3A_3] : memref<2000x16xf32, #tpu.memory_space<vmem>>, vector<2000x16xf32>
    %get3A_5 = arith.constant 0 : index
    %get3A_6 = arith.constant 0 : index
    %get3A_7 = vector.load %arg2[%get3A_5, %get3A_6] : memref<2000x16xf32, #tpu.memory_space<vmem>>, vector<2000x16xf32>
    %add3A = arith.addf %get3A_4, %get3A_7 : vector<2000x16xf32>
    %get3A_8 = arith.constant 0 : index
    %get3A_9 = arith.constant 0 : index
    %get3A_10 = vector.load %arg3[%get3A_8, %get3A_9] : memref<2000x16xf32, #tpu.memory_space<vmem>>, vector<2000x16xf32>
    %add3A_11 = arith.addf %add3A, %get3A_10 : vector<2000x16xf32>
    %mul3A = vector.broadcast %get3A_1 : vector<2000x1xf32> to vector<2000x16xf32>
    %mul3A_12 = arith.mulf %mul3A, %add3A_11 : vector<2000x16xf32>
    %max3A = arith.constant 0.000000e+00 : f32
    %max3A_13 = vector.broadcast %max3A : f32 to vector<2000x16xf32>
    %max3A_14 = arith.maximumf %mul3A_12, %max3A_13 : vector<2000x16xf32>
    %min3A = arith.constant 0.000000e+00 : f32
    %min3A_15 = vector.broadcast %min3A : f32 to vector<2000x16xf32>
    %min3A_16 = arith.minimumf %mul3A_12, %min3A_15 : vector<2000x16xf32>
    %concatenate3A = tpu.concatenate %max3A_14, %min3A_16 in 1 : vector<2000x16xf32>, vector<2000x16xf32> -> vector<2000x32xf32>
    %swap3A = arith.constant 0 : index
    %swap3A_17 = arith.constant 0 : index
    %swap3A_18 = vector.load %arg5[%swap3A, %swap3A_17] : memref<2000x32xf32, #tpu.memory_space<vmem>>, vector<2000x32xf32>
    tpu.vector_store %arg5[%swap3A, %swap3A_17], %concatenate3A {strides = array<i32>} : memref<2000x32xf32, #tpu.memory_space<vmem>>, vector<2000x32xf32>,
    %mul3A_19 = vector.broadcast %get3A_1 : vector<2000x1xf32> to vector<2000x32xf32>
    %mul3A_20 = arith.mulf %concatenate3A, %mul3A_19 : vector<2000x32xf32>
    %swap3A_21 = arith.constant 0 : index
    %swap3A_22 = arith.constant 0 : index
    %swap3A_23 = vector.load %arg6[%swap3A_21, %swap3A_22] : memref<2000x32xf32, #tpu.memory_space<vmem>>, vector<2000x32xf32>
    tpu.vector_store %arg6[%swap3A_21, %swap3A_22], %mul3A_20 {strides = array<i32>} : memref<2000x32xf32, #tpu.memory_space<vmem>>, vector<2000x32xf32>,
    return
  }
  func.func @transform_0(%arg0: i32) -> (i32, i32) {
    %c0_i32 = arith.constant 0 : i32
    %c0_i32_0 = arith.constant 0 : i32
    return %arg0, %c0_i32 : i32, i32
  }
  func.func @transform_1(%arg0: i32) -> (i32, i32) {
    %c0_i32 = arith.constant 0 : i32
    %c0_i32_0 = arith.constant 0 : i32
    return %arg0, %c0_i32 : i32, i32
  }
  func.func @transform_2(%arg0: i32) -> (i32, i32) {
    %c0_i32 = arith.constant 0 : i32
    %c0_i32_0 = arith.constant 0 : i32
    return %arg0, %c0_i32 : i32, i32
  }
  func.func @transform_3(%arg0: i32) -> (i32, i32) {
    %c0_i32 = arith.constant 0 : i32
    %c0_i32_0 = arith.constant 0 : i32
    return %arg0, %c0_i32 : i32, i32
  }
  func.func @transform_4(%arg0: i32) -> (i32, i32) {
    %c0_i32 = arith.constant 0 : i32
    %c0_i32_0 = arith.constant 0 : i32
    return %arg0, %c0_i32 : i32, i32
  }
  func.func @transform_5(%arg0: i32) -> (i32, i32) {
    %c0_i32 = arith.constant 0 : i32
    %c0_i32_0 = arith.constant 0 : i32
    return %arg0, %c0_i32 : i32, i32
  }
}

module attributes {stable_mosaic.version = 14 : i64} {
  func.func @body(%arg0: i32, %arg1: memref<2000x32xf32, #tpu.memory_space<vmem>>, %arg2: memref<2000x32xf32, #tpu.memory_space<vmem>>, %arg3: memref<2000x32xf32, #tpu.memory_space<vmem>>, %arg4: memref<2000x1xf32, #tpu.memory_space<vmem>>, %arg5: memref<2000x32xf32, #tpu.memory_space<vmem>>) attributes {dimension_semantics = [#tpu.dimension_semantics<arbitrary>], iteration_bounds = array<i64: 5>, scalar_prefetch = 0 : i64, scratch_operands = 0 : i64, tpu.core_type = #tpu.core_type<tc>, window_params = [{transform_indices = @transform_0, window_bounds = array<i64: 2000, 32>}, {transform_indices = @transform_1, window_bounds = array<i64: 2000, 32>}, {transform_indices = @transform_2, window_bounds = array<i64: 2000, 32>}, {transform_indices = @transform_3, window_bounds = array<i64: 2000, 1>}, {transform_indices = @transform_4, window_bounds = array<i64: 2000, 32>}]} {
    %get3A = arith.constant 0 : index
    %get3A_0 = arith.constant 0 : index
    %get3A_1 = vector.load %arg4[%get3A, %get3A_0] : memref<2000x1xf32, #tpu.memory_space<vmem>>, vector<2000x1xf32>
    %get3A_2 = arith.constant 0 : index
    %get3A_3 = arith.constant 0 : index
    %get3A_4 = vector.load %arg1[%get3A_2, %get3A_3] : memref<2000x32xf32, #tpu.memory_space<vmem>>, vector<2000x32xf32>
    %get3A_5 = arith.constant 0 : index
    %get3A_6 = arith.constant 0 : index
    %get3A_7 = vector.load %arg2[%get3A_5, %get3A_6] : memref<2000x32xf32, #tpu.memory_space<vmem>>, vector<2000x32xf32>
    %add3A = arith.addf %get3A_4, %get3A_7 : vector<2000x32xf32>
    %get3A_8 = arith.constant 0 : index
    %get3A_9 = arith.constant 0 : index
    %get3A_10 = vector.load %arg3[%get3A_8, %get3A_9] : memref<2000x32xf32, #tpu.memory_space<vmem>>, vector<2000x32xf32>
    %add3A_11 = arith.addf %add3A, %get3A_10 : vector<2000x32xf32>
    %mul3A = vector.broadcast %get3A_1 : vector<2000x1xf32> to vector<2000x32xf32>
    %mul3A_12 = arith.mulf %mul3A, %add3A_11 : vector<2000x32xf32>
    %swap3A = arith.constant 0 : index
    %swap3A_13 = arith.constant 0 : index
    %swap3A_14 = vector.load %arg5[%swap3A, %swap3A_13] : memref<2000x32xf32, #tpu.memory_space<vmem>>, vector<2000x32xf32>
    tpu.vector_store %arg5[%swap3A, %swap3A_13], %mul3A_12 {strides = array<i32>} : memref<2000x32xf32, #tpu.memory_space<vmem>>, vector<2000x32xf32>,
    return
  }
  func.func @transform_0(%arg0: i32) -> (i32, i32) {
    %c0_i32 = arith.constant 0 : i32
    %c0_i32_0 = arith.constant 0 : i32
    return %arg0, %c0_i32 : i32, i32
  }
  func.func @transform_1(%arg0: i32) -> (i32, i32) {
    %c0_i32 = arith.constant 0 : i32
    %c0_i32_0 = arith.constant 0 : i32
    return %arg0, %c0_i32 : i32, i32
  }
  func.func @transform_2(%arg0: i32) -> (i32, i32) {
    %c0_i32 = arith.constant 0 : i32
    %c0_i32_0 = arith.constant 0 : i32
    return %arg0, %c0_i32 : i32, i32
  }
  func.func @transform_3(%arg0: i32) -> (i32, i32) {
    %c0_i32 = arith.constant 0 : i32
    %c0_i32_0 = arith.constant 0 : i32
    return %arg0, %c0_i32 : i32, i32
  }
  func.func @transform_4(%arg0: i32) -> (i32, i32) {
    %c0_i32 = arith.constant 0 : i32
    %c0_i32_0 = arith.constant 0 : i32
    return %arg0, %c0_i32 : i32, i32
  }
}

module attributes {stable_mosaic.version = 14 : i64} {
  func.func @body(%arg0: i32, %arg1: memref<10000x32xf32, #tpu.memory_space<vmem>>, %arg2: memref<10000x32xf32, #tpu.memory_space<vmem>>, %arg3: memref<1x64xf32, #tpu.memory_space<vmem>>, %arg4: memref<1x64xf32, #tpu.memory_space<vmem>>, %arg5: memref<1x64xf32, #tpu.memory_space<vmem>>, %arg6: memref<1x64xf32, #tpu.memory_space<vmem>>, %arg7: memref<1x64xf32, #tpu.memory_space<vmem>>, %arg8: memref<1x64xf32, #tpu.memory_space<vmem>>, %arg9: memref<1x33xf32, #tpu.memory_space<vmem>>, %arg10: memref<1x33xf32, #tpu.memory_space<vmem>>, %arg11: memref<1x33xf32, #tpu.memory_space<vmem>>, %arg12: memref<32x32xf32, #tpu.memory_space<vmem>>, %arg13: memref<1x32xf32, #tpu.memory_space<vmem>>, %arg14: memref<32x1xf32, #tpu.memory_space<vmem>>, %arg15: memref<32x1xf32, #tpu.memory_space<vmem>>, %arg16: memref<1x1xf32, #tpu.memory_space<vmem>>, %arg17: memref<1x8x128xf32, #tpu.memory_space<vmem>>) attributes {dimension_semantics = [#tpu.dimension_semantics<arbitrary>], iteration_bounds = array<i64: 16>, scalar_prefetch = 0 : i64, scratch_operands = 0 : i64, tpu.core_type = #tpu.core_type<tc>, window_params = [{pipeline_mode = #tpu.pipeline_mode<synchronous>, transform_indices = @transform_0, window_bounds = array<i64: 10000, 32>}, {pipeline_mode = #tpu.pipeline_mode<synchronous>, transform_indices = @transform_1, window_bounds = array<i64: 10000, 32>}, {pipeline_mode = #tpu.pipeline_mode<synchronous>, transform_indices = @transform_2, window_bounds = array<i64: 1, 64>}, {pipeline_mode = #tpu.pipeline_mode<synchronous>, transform_indices = @transform_3, window_bounds = array<i64: 1, 64>}, {pipeline_mode = #tpu.pipeline_mode<synchronous>, transform_indices = @transform_4, window_bounds = array<i64: 1, 64>}, {pipeline_mode = #tpu.pipeline_mode<synchronous>, transform_indices = @transform_5, window_bounds = array<i64: 1, 64>}, {pipeline_mode = #tpu.pipeline_mode<synchronous>, transform_indices = @transform_6, window_bounds = array<i64: 1, 64>}, {pipeline_mode = #tpu.pipeline_mode<synchronous>, transform_indices = @transform_7, window_bounds = array<i64: 1, 64>}, {pipeline_mode = #tpu.pipeline_mode<synchronous>, transform_indices = @transform_8, window_bounds = array<i64: 1, 33>}, {pipeline_mode = #tpu.pipeline_mode<synchronous>, transform_indices = @transform_9, window_bounds = array<i64: 1, 33>}, {pipeline_mode = #tpu.pipeline_mode<synchronous>, transform_indices = @transform_10, window_bounds = array<i64: 1, 33>}, {pipeline_mode = #tpu.pipeline_mode<synchronous>, transform_indices = @transform_11, window_bounds = array<i64: 32, 32>}, {pipeline_mode = #tpu.pipeline_mode<synchronous>, transform_indices = @transform_12, window_bounds = array<i64: 1, 32>}, {pipeline_mode = #tpu.pipeline_mode<synchronous>, transform_indices = @transform_13, window_bounds = array<i64: 32, 1>}, {pipeline_mode = #tpu.pipeline_mode<synchronous>, transform_indices = @transform_14, window_bounds = array<i64: 32, 1>}, {pipeline_mode = #tpu.pipeline_mode<synchronous>, transform_indices = @transform_15, window_bounds = array<i64: 1, 1>}, {transform_indices = @transform_16, window_bounds = array<i64: 1, 8, 128>}]} {
    %get3A = arith.constant 0 : index
    %get3A_0 = arith.constant 0 : index
    %get3A_1 = vector.load %arg1[%get3A, %get3A_0] : memref<10000x32xf32, #tpu.memory_space<vmem>>, vector<10000x32xf32>
    %get3A_2 = arith.constant 0 : index
    %get3A_3 = arith.constant 0 : index
    %get3A_4 = vector.load %arg2[%get3A_2, %get3A_3] : memref<10000x32xf32, #tpu.memory_space<vmem>>, vector<10000x32xf32>
    %iota3A = tpu.iota {dimensions = array<i32: 1>} : vector<1x32xi32>
    %eq3A = vector.broadcast %arg0 : i32 to vector<1x32xi32>
    %eq3A_5 = arith.cmpi eq, %iota3A, %eq3A : vector<1x32xi32>
    %convert_element_type3A = arith.extui %eq3A_5 : vector<1x32xi1> to vector<1x32xi32>
    %convert_element_type3A_6 = arith.sitofp %convert_element_type3A : vector<1x32xi32> to vector<1x32xf32>
    %add3A = arith.constant 16 : i32
    %add3A_7 = arith.addi %arg0, %add3A : i32
    %eq3A_8 = vector.broadcast %add3A_7 : i32 to vector<1x32xi32>
    %eq3A_9 = arith.cmpi eq, %iota3A, %eq3A_8 : vector<1x32xi32>
    %convert_element_type3A_10 = arith.extui %eq3A_9 : vector<1x32xi1> to vector<1x32xi32>
    %convert_element_type3A_11 = arith.sitofp %convert_element_type3A_10 : vector<1x32xi32> to vector<1x32xf32>
    %mul3A = vector.broadcast %convert_element_type3A_6 : vector<1x32xf32> to vector<10000x32xf32>
    %mul3A_12 = arith.mulf %get3A_1, %mul3A : vector<10000x32xf32>
    %reduce_sum3A = arith.constant dense<0.000000e+00> : vector<10000xf32>
    %reduce_sum3A_13 = vector.multi_reduction <add>, %mul3A_12, %reduce_sum3A [1] : vector<10000x32xf32> to vector<10000xf32>
    %broadcast_in_dim3A = vector.shape_cast %reduce_sum3A_13 : vector<10000xf32> to vector<10000x1xf32>
    %mul3A_14 = vector.broadcast %convert_element_type3A_11 : vector<1x32xf32> to vector<10000x32xf32>
    %mul3A_15 = arith.mulf %get3A_1, %mul3A_14 : vector<10000x32xf32>
    %reduce_sum3A_16 = arith.constant dense<0.000000e+00> : vector<10000xf32>
    %reduce_sum3A_17 = vector.multi_reduction <add>, %mul3A_15, %reduce_sum3A_16 [1] : vector<10000x32xf32> to vector<10000xf32>
    %broadcast_in_dim3A_18 = vector.shape_cast %reduce_sum3A_17 : vector<10000xf32> to vector<10000x1xf32>
    %mul3A_19 = vector.broadcast %convert_element_type3A_6 : vector<1x32xf32> to vector<10000x32xf32>
    %mul3A_20 = arith.mulf %get3A_4, %mul3A_19 : vector<10000x32xf32>
    %reduce_sum3A_21 = arith.constant dense<0.000000e+00> : vector<10000xf32>
    %reduce_sum3A_22 = vector.multi_reduction <add>, %mul3A_20, %reduce_sum3A_21 [1] : vector<10000x32xf32> to vector<10000xf32>
    %broadcast_in_dim3A_23 = vector.shape_cast %reduce_sum3A_22 : vector<10000xf32> to vector<10000x1xf32>
    %mul3A_24 = vector.broadcast %convert_element_type3A_11 : vector<1x32xf32> to vector<10000x32xf32>
    %mul3A_25 = arith.mulf %get3A_4, %mul3A_24 : vector<10000x32xf32>
    %reduce_sum3A_26 = arith.constant dense<0.000000e+00> : vector<10000xf32>
    %reduce_sum3A_27 = vector.multi_reduction <add>, %mul3A_25, %reduce_sum3A_26 [1] : vector<10000x32xf32> to vector<10000xf32>
    %broadcast_in_dim3A_28 = vector.shape_cast %reduce_sum3A_27 : vector<10000xf32> to vector<10000x1xf32>
    %get3A_29 = arith.constant 0 : index
    %get3A_30 = arith.constant 0 : index
    %get3A_31 = vector.load %arg3[%get3A_29, %get3A_30] : memref<1x64xf32, #tpu.memory_space<vmem>>, vector<1x64xf32>
    %mul3A_32 = vector.broadcast %broadcast_in_dim3A : vector<10000x1xf32> to vector<10000x64xf32>
    %mul3A_33 = vector.broadcast %get3A_31 : vector<1x64xf32> to vector<10000x64xf32>
    %mul3A_34 = arith.mulf %mul3A_32, %mul3A_33 : vector<10000x64xf32>
    %get3A_35 = arith.constant 0 : index
    %get3A_36 = arith.constant 0 : index
    %get3A_37 = vector.load %arg4[%get3A_35, %get3A_36] : memref<1x64xf32, #tpu.memory_space<vmem>>, vector<1x64xf32>
    %mul3A_38 = vector.broadcast %broadcast_in_dim3A_18 : vector<10000x1xf32> to vector<10000x64xf32>
    %mul3A_39 = vector.broadcast %get3A_37 : vector<1x64xf32> to vector<10000x64xf32>
    %mul3A_40 = arith.mulf %mul3A_38, %mul3A_39 : vector<10000x64xf32>
    %add3A_41 = arith.addf %mul3A_34, %mul3A_40 : vector<10000x64xf32>
    %get3A_42 = arith.constant 0 : index
    %get3A_43 = arith.constant 0 : index
    %get3A_44 = vector.load %arg5[%get3A_42, %get3A_43] : memref<1x64xf32, #tpu.memory_space<vmem>>, vector<1x64xf32>
    %add3A_45 = vector.broadcast %get3A_44 : vector<1x64xf32> to vector<10000x64xf32>
    %add3A_46 = arith.addf %add3A_41, %add3A_45 : vector<10000x64xf32>
    %reduce_max3A = arith.constant dense<0xFF800000> : vector<10000xf32>
    %reduce_max3A_47 = vector.multi_reduction <maximumf>, %add3A_46, %reduce_max3A [1] : vector<10000x64xf32> to vector<10000xf32>
    %broadcast_in_dim3A_48 = vector.shape_cast %reduce_max3A_47 : vector<10000xf32> to vector<10000x1xf32>
    %sub3A = vector.broadcast %broadcast_in_dim3A_48 : vector<10000x1xf32> to vector<10000x64xf32>
    %sub3A_49 = arith.subf %add3A_46, %sub3A : vector<10000x64xf32>
    %exp3A = math.exp %sub3A_49 : vector<10000x64xf32>
    %reduce_sum3A_50 = arith.constant dense<0.000000e+00> : vector<10000xf32>
    %reduce_sum3A_51 = vector.multi_reduction <add>, %exp3A, %reduce_sum3A_50 [1] : vector<10000x64xf32> to vector<10000xf32>
    %broadcast_in_dim3A_52 = vector.shape_cast %reduce_sum3A_51 : vector<10000xf32> to vector<10000x1xf32>
    %div3A = vector.broadcast %broadcast_in_dim3A_52 : vector<10000x1xf32> to vector<10000x64xf32>
    %div3A_53 = arith.divf %exp3A, %div3A : vector<10000x64xf32>
    %get3A_54 = arith.constant 0 : index
    %get3A_55 = arith.constant 0 : index
    %get3A_56 = vector.load %arg6[%get3A_54, %get3A_55] : memref<1x64xf32, #tpu.memory_space<vmem>>, vector<1x64xf32>
    %mul3A_57 = vector.broadcast %broadcast_in_dim3A_23 : vector<10000x1xf32> to vector<10000x64xf32>
    %mul3A_58 = vector.broadcast %get3A_56 : vector<1x64xf32> to vector<10000x64xf32>
    %mul3A_59 = arith.mulf %mul3A_57, %mul3A_58 : vector<10000x64xf32>
    %get3A_60 = arith.constant 0 : index
    %get3A_61 = arith.constant 0 : index
    %get3A_62 = vector.load %arg7[%get3A_60, %get3A_61] : memref<1x64xf32, #tpu.memory_space<vmem>>, vector<1x64xf32>
    %mul3A_63 = vector.broadcast %broadcast_in_dim3A_28 : vector<10000x1xf32> to vector<10000x64xf32>
    %mul3A_64 = vector.broadcast %get3A_62 : vector<1x64xf32> to vector<10000x64xf32>
    %mul3A_65 = arith.mulf %mul3A_63, %mul3A_64 : vector<10000x64xf32>
    %add3A_66 = arith.addf %mul3A_59, %mul3A_65 : vector<10000x64xf32>
    %get3A_67 = arith.constant 0 : index
    %get3A_68 = arith.constant 0 : index
    %get3A_69 = vector.load %arg8[%get3A_67, %get3A_68] : memref<1x64xf32, #tpu.memory_space<vmem>>, vector<1x64xf32>
    %add3A_70 = vector.broadcast %get3A_69 : vector<1x64xf32> to vector<10000x64xf32>
    %add3A_71 = arith.addf %add3A_66, %add3A_70 : vector<10000x64xf32>
    %mul3A_72 = arith.mulf %add3A_71, %div3A_53 : vector<10000x64xf32>
    %reduce_max3A_73 = arith.constant dense<0xFF800000> : vector<64xf32>
    %reduce_max3A_74 = vector.multi_reduction <maximumf>, %mul3A_72, %reduce_max3A_73 [0] : vector<10000x64xf32> to vector<64xf32>
    %broadcast_in_dim3A_75 = vector.shape_cast %reduce_max3A_74 : vector<64xf32> to vector<1x64xf32>
    %sub3A_76 = vector.broadcast %broadcast_in_dim3A_75 : vector<1x64xf32> to vector<10000x64xf32>
    %sub3A_77 = arith.subf %mul3A_72, %sub3A_76 : vector<10000x64xf32>
    %exp3A_78 = math.exp %sub3A_77 : vector<10000x64xf32>
    %get3A_79 = arith.constant 0 : index
    %get3A_80 = arith.constant 0 : index
    %get3A_81 = vector.load %arg9[%get3A_79, %get3A_80] : memref<1x33xf32, #tpu.memory_space<vmem>>, vector<1x33xf32>
    %mul3A_82 = vector.broadcast %broadcast_in_dim3A_23 : vector<10000x1xf32> to vector<10000x33xf32>
    %mul3A_83 = vector.broadcast %get3A_81 : vector<1x33xf32> to vector<10000x33xf32>
    %mul3A_84 = arith.mulf %mul3A_82, %mul3A_83 : vector<10000x33xf32>
    %get3A_85 = arith.constant 0 : index
    %get3A_86 = arith.constant 0 : index
    %get3A_87 = vector.load %arg10[%get3A_85, %get3A_86] : memref<1x33xf32, #tpu.memory_space<vmem>>, vector<1x33xf32>
    %mul3A_88 = vector.broadcast %broadcast_in_dim3A_28 : vector<10000x1xf32> to vector<10000x33xf32>
    %mul3A_89 = vector.broadcast %get3A_87 : vector<1x33xf32> to vector<10000x33xf32>
    %mul3A_90 = arith.mulf %mul3A_88, %mul3A_89 : vector<10000x33xf32>
    %add3A_91 = arith.addf %mul3A_84, %mul3A_90 : vector<10000x33xf32>
    %get3A_92 = arith.constant 0 : index
    %get3A_93 = arith.constant 0 : index
    %get3A_94 = vector.load %arg11[%get3A_92, %get3A_93] : memref<1x33xf32, #tpu.memory_space<vmem>>, vector<1x33xf32>
    %add3A_95 = vector.broadcast %get3A_94 : vector<1x33xf32> to vector<10000x33xf32>
    %add3A_96 = arith.addf %add3A_91, %add3A_95 : vector<10000x33xf32>
    %dot_general3A = arith.constant dense<0.000000e+00> : vector<64x33xf32>
    %dot_general3A_97 = tpu.matmul %exp3A_78, %add3A_96, %dot_general3A {dimension_numbers = #tpu.dot_dimension_numbers<[0], [0], [1], [1], [0, 1, 1, 1], [], []>, precision = #tpu.contract_precision<fp32>, transpose_lhs_hint = false} : vector<10000x64xf32>, vector<10000x33xf32>, vector<64x33xf32> -> vector<64x33xf32>
    %slice3A = vector.extract_strided_slice %dot_general3A_97 {offsets = [0, 0], sizes = [64, 32], strides = [1, 1]} : vector<64x33xf32> to vector<64x32xf32>
    %slice3A_98 = vector.extract_strided_slice %dot_general3A_97 {offsets = [0, 32], sizes = [64, 1], strides = [1, 1]} : vector<64x33xf32> to vector<64x1xf32>
    %div3A_99 = vector.broadcast %slice3A_98 : vector<64x1xf32> to vector<64x32xf32>
    %div3A_100 = arith.divf %slice3A, %div3A_99 : vector<64x32xf32>
    %get3A_101 = arith.constant 0 : index
    %get3A_102 = arith.constant 0 : index
    %get3A_103 = vector.load %arg12[%get3A_101, %get3A_102] : memref<32x32xf32, #tpu.memory_space<vmem>>, vector<32x32xf32>
    %dot_general3A_104 = arith.constant dense<0.000000e+00> : vector<64x32xf32>
    %dot_general3A_105 = tpu.matmul %div3A_100, %get3A_103, %dot_general3A_104 {dimension_numbers = #tpu.dot_dimension_numbers<[1], [0], [0], [1], [0, 0, 1, 1], [], []>, precision = #tpu.contract_precision<fp32>, transpose_lhs_hint = false} : vector<64x32xf32>, vector<32x32xf32>, vector<64x32xf32> -> vector<64x32xf32>
    %get3A_106 = arith.constant 0 : index
    %get3A_107 = arith.constant 0 : index
    %get3A_108 = vector.load %arg13[%get3A_106, %get3A_107] : memref<1x32xf32, #tpu.memory_space<vmem>>, vector<1x32xf32>
    %add3A_109 = vector.broadcast %get3A_108 : vector<1x32xf32> to vector<64x32xf32>
    %add3A_110 = arith.addf %dot_general3A_105, %add3A_109 : vector<64x32xf32>
    %get3A_111 = arith.constant 0 : index
    %get3A_112 = arith.constant 0 : index
    %get3A_113 = vector.load %arg14[%get3A_111, %get3A_112] : memref<32x1xf32, #tpu.memory_space<vmem>>, vector<32x1xf32>
    %dot_general3A_114 = arith.constant dense<0.000000e+00> : vector<64x1xf32>
    %dot_general3A_115 = tpu.matmul %add3A_110, %get3A_113, %dot_general3A_114 {dimension_numbers = #tpu.dot_dimension_numbers<[1], [0], [0], [1], [0, 0, 1, 1], [], []>, precision = #tpu.contract_precision<fp32>, transpose_lhs_hint = false} : vector<64x32xf32>, vector<32x1xf32>, vector<64x1xf32> -> vector<64x1xf32>
    %reduce_max3A_116 = arith.constant dense<0xFF800000> : vector<1xf32>
    %reduce_max3A_117 = vector.multi_reduction <maximumf>, %dot_general3A_115, %reduce_max3A_116 [0] : vector<64x1xf32> to vector<1xf32>
    %broadcast_in_dim3A_118 = vector.shape_cast %reduce_max3A_117 : vector<1xf32> to vector<1x1xf32>
    %sub3A_119 = vector.broadcast %broadcast_in_dim3A_118 : vector<1x1xf32> to vector<64x1xf32>
    %sub3A_120 = arith.subf %dot_general3A_115, %sub3A_119 : vector<64x1xf32>
    %exp3A_121 = math.exp %sub3A_120 : vector<64x1xf32>
    %reduce_sum3A_122 = arith.constant dense<0.000000e+00> : vector<1xf32>
    %reduce_sum3A_123 = vector.multi_reduction <add>, %exp3A_121, %reduce_sum3A_122 [0] : vector<64x1xf32> to vector<1xf32>
    %broadcast_in_dim3A_124 = vector.shape_cast %reduce_sum3A_123 : vector<1xf32> to vector<1x1xf32>
    %div3A_125 = vector.broadcast %broadcast_in_dim3A_124 : vector<1x1xf32> to vector<64x1xf32>
    %div3A_126 = arith.divf %exp3A_121, %div3A_125 : vector<64x1xf32>
    %get3A_127 = arith.constant 0 : index
    %get3A_128 = arith.constant 0 : index
    %get3A_129 = vector.load %arg15[%get3A_127, %get3A_128] : memref<32x1xf32, #tpu.memory_space<vmem>>, vector<32x1xf32>
    %dot_general3A_130 = arith.constant dense<0.000000e+00> : vector<64x1xf32>
    %dot_general3A_131 = tpu.matmul %div3A_100, %get3A_129, %dot_general3A_130 {dimension_numbers = #tpu.dot_dimension_numbers<[1], [0], [0], [1], [0, 0, 1, 1], [], []>, precision = #tpu.contract_precision<fp32>, transpose_lhs_hint = false} : vector<64x32xf32>, vector<32x1xf32>, vector<64x1xf32> -> vector<64x1xf32>
    %mul3A_132 = arith.mulf %div3A_126, %dot_general3A_131 : vector<64x1xf32>
    %reduce_sum3A_133 = vector.shape_cast %mul3A_132 : vector<64x1xf32> to vector<1x64x1xf32>
    %reduce_sum3A_134 = arith.constant dense<0.000000e+00> : vector<1xf32>
    %reduce_sum3A_135 = vector.multi_reduction <add>, %reduce_sum3A_133, %reduce_sum3A_134 [1, 2] : vector<1x64x1xf32> to vector<1xf32>
    %reduce_sum3A_136 = vector.shape_cast %reduce_sum3A_135 : vector<1xf32> to vector<1x1x1xf32>
    %reduce_sum3A_137 = vector.extract %reduce_sum3A_136[0, 0, 0] : f32 from vector<1x1x1xf32>
    %get3A_138 = arith.constant 0 : index
    %get3A_139 = arith.constant 0 : index
    %get3A_140 = vector.load %arg16[%get3A_138, %get3A_139] : memref<1x1xf32, #tpu.memory_space<vmem>>, vector<1x1xf32>
    %get3A_141 = vector.extract %get3A_140[0, 0] : f32 from vector<1x1xf32>
    %add3A_142 = arith.addf %reduce_sum3A_137, %get3A_141 : f32
    %broadcast_in_dim3A_143 = vector.broadcast %add3A_142 : f32 to vector<1x8x128xf32>
    %swap3A = arith.constant 0 : index
    %swap3A_144 = arith.constant 0 : index
    %swap3A_145 = arith.constant 0 : index
    %swap3A_146 = vector.load %arg17[%swap3A, %swap3A_144, %swap3A_145] : memref<1x8x128xf32, #tpu.memory_space<vmem>>, vector<1x8x128xf32>
    tpu.vector_store %arg17[%swap3A, %swap3A_144, %swap3A_145], %broadcast_in_dim3A_143 {strides = array<i32>} : memref<1x8x128xf32, #tpu.memory_space<vmem>>, vector<1x8x128xf32>,
    return
  }
  func.func @transform_0(%arg0: i32) -> (i32, i32) {
    %c0_i32 = arith.constant 0 : i32
    %c0_i32_0 = arith.constant 0 : i32
    %c0_i32_1 = arith.constant 0 : i32
    return %c0_i32, %c0_i32_0 : i32, i32
  }
  func.func @transform_1(%arg0: i32) -> (i32, i32) {
    %c0_i32 = arith.constant 0 : i32
    %c0_i32_0 = arith.constant 0 : i32
    %c0_i32_1 = arith.constant 0 : i32
    return %c0_i32, %c0_i32_0 : i32, i32
  }
  func.func @transform_2(%arg0: i32) -> (i32, i32) {
    %c0_i32 = arith.constant 0 : i32
    %c0_i32_0 = arith.constant 0 : i32
    %c0_i32_1 = arith.constant 0 : i32
    return %c0_i32, %c0_i32_0 : i32, i32
  }
  func.func @transform_3(%arg0: i32) -> (i32, i32) {
    %c0_i32 = arith.constant 0 : i32
    %c0_i32_0 = arith.constant 0 : i32
    %c0_i32_1 = arith.constant 0 : i32
    return %c0_i32, %c0_i32_0 : i32, i32
  }
  func.func @transform_4(%arg0: i32) -> (i32, i32) {
    %c0_i32 = arith.constant 0 : i32
    %c0_i32_0 = arith.constant 0 : i32
    %c0_i32_1 = arith.constant 0 : i32
    return %c0_i32, %c0_i32_0 : i32, i32
  }
  func.func @transform_5(%arg0: i32) -> (i32, i32) {
    %c0_i32 = arith.constant 0 : i32
    %c0_i32_0 = arith.constant 0 : i32
    %c0_i32_1 = arith.constant 0 : i32
    return %c0_i32, %c0_i32_0 : i32, i32
  }
  func.func @transform_6(%arg0: i32) -> (i32, i32) {
    %c0_i32 = arith.constant 0 : i32
    %c0_i32_0 = arith.constant 0 : i32
    %c0_i32_1 = arith.constant 0 : i32
    return %c0_i32, %c0_i32_0 : i32, i32
  }
  func.func @transform_7(%arg0: i32) -> (i32, i32) {
    %c0_i32 = arith.constant 0 : i32
    %c0_i32_0 = arith.constant 0 : i32
    %c0_i32_1 = arith.constant 0 : i32
    return %c0_i32, %c0_i32_0 : i32, i32
  }
  func.func @transform_8(%arg0: i32) -> (i32, i32) {
    %c0_i32 = arith.constant 0 : i32
    %c0_i32_0 = arith.constant 0 : i32
    %c0_i32_1 = arith.constant 0 : i32
    return %c0_i32, %c0_i32_0 : i32, i32
  }
  func.func @transform_9(%arg0: i32) -> (i32, i32) {
    %c0_i32 = arith.constant 0 : i32
    %c0_i32_0 = arith.constant 0 : i32
    %c0_i32_1 = arith.constant 0 : i32
    return %c0_i32, %c0_i32_0 : i32, i32
  }
  func.func @transform_10(%arg0: i32) -> (i32, i32) {
    %c0_i32 = arith.constant 0 : i32
    %c0_i32_0 = arith.constant 0 : i32
    %c0_i32_1 = arith.constant 0 : i32
    return %c0_i32, %c0_i32_0 : i32, i32
  }
  func.func @transform_11(%arg0: i32) -> (i32, i32) {
    %c0_i32 = arith.constant 0 : i32
    %c0_i32_0 = arith.constant 0 : i32
    %c0_i32_1 = arith.constant 0 : i32
    return %c0_i32, %c0_i32_0 : i32, i32
  }
  func.func @transform_12(%arg0: i32) -> (i32, i32) {
    %c0_i32 = arith.constant 0 : i32
    %c0_i32_0 = arith.constant 0 : i32
    %c0_i32_1 = arith.constant 0 : i32
    return %c0_i32, %c0_i32_0 : i32, i32
  }
  func.func @transform_13(%arg0: i32) -> (i32, i32) {
    %c0_i32 = arith.constant 0 : i32
    %c0_i32_0 = arith.constant 0 : i32
    %c0_i32_1 = arith.constant 0 : i32
    return %c0_i32, %c0_i32_0 : i32, i32
  }
  func.func @transform_14(%arg0: i32) -> (i32, i32) {
    %c0_i32 = arith.constant 0 : i32
    %c0_i32_0 = arith.constant 0 : i32
    %c0_i32_1 = arith.constant 0 : i32
    return %c0_i32, %c0_i32_0 : i32, i32
  }
  func.func @transform_15(%arg0: i32) -> (i32, i32) {
    %c0_i32 = arith.constant 0 : i32
    %c0_i32_0 = arith.constant 0 : i32
    %c0_i32_1 = arith.constant 0 : i32
    return %c0_i32, %c0_i32_0 : i32, i32
  }
  func.func @transform_16(%arg0: i32) -> (i32, i32, i32) {
    %c0_i32 = arith.constant 0 : i32
    %c0_i32_0 = arith.constant 0 : i32
    %c0_i32_1 = arith.constant 0 : i32
    return %arg0, %c0_i32, %c0_i32_0 : i32, i32, i32
  }
}

</mosaic_0001>

<sc_bundles>
// kernel: kernel.12.cloned.1.call-start
scs
__scs_entry_jumppad:
0x0: {  	(pc) =	sbr.rel $0x88, $3  }
0x1: {  	(tag) =	ssettag $0x0;
	lr =	simm.s32 $0x1  }
0x2: {  	[smem:$0x3F92] =	sst lr;
	_ =	strace $0xD0000000  }
0x3: {  	_ = 	snop  }
0x4: {  	_ = 	snop  }
0x5: {  	_ = 	snop  }
0x6: {  	_ = 	snop  }
0x7: {  	_ = 	snop  }
__scs_overlays_trampoline_lowered:
0x8: {  	[smem:$0x3FA1] =	sst s0  }
0x9: {  	[smem:$0x3FA2] =	sst s1  }
0xa: {  	[smem:$0x3FA3] =	sst s2  }
0xb: {  	[smem:$0x3FA4] =	sst s3  }
0xc: {  	[smem:$0x3FA5] =	sst s4  }
0xd: {  	[smem:$0x3FA6] =	sst s5  }
0xe: {  	[smem:$0x3FA7] =	sst s6  }
0xf: {  	[smem:$0x3FA8] =	sst s7  }
0x10: {  	[smem:$0x3FA9] =	sst s8  }
0x11: {  	[smem:$0x3FAA] =	sst s9;
	s0 =	simm.s32 @!p0 $0x0  }
0x12: {  	s1 =	sld [smem:$0x3F90];
	s0 =	simm.s32 @p0 $0x1  }
0x13: {  	[smem:$0x3FAB] =	sst s0;
	s0 =	simm.s32 @!p1 $0x0  }
0x14: {  	s2 =	sld [smem:$0x3F8F];
	s0 =	simm.s32 @p1 $0x1  }
0x15: {  	[smem:$0x3FAC] =	sst s0;
	s0 =	simm.s32 @!p2 $0x0  }
0x16: {  	s3 =	sld [smem:$0x3FDB];
	s0 =	simm.s32 @p2 $0x1  }
0x17: {  	s4 =	simm.s32 $0x1BF5;
	[smem:$0x3FAE] =	sst s0  }
0x18: {  	s0 =	sld [smem:$0x3F91];
	_ =	swait.ge [sflag:s4], $0x0  }
0x19: {  	s7 =	sld [smem:$0x3F92]  }
0x1a: {  	s8 =	sadd.s32 $0xFFFFE003, lr  }
0x1b: {  	s9 =	sadd.s32 $0xFFFFFEF7, lr;
	s5 =	simm.s32 $0xFFFFFFFF;
	p2 =	slt.u32 s8, $0xFFFFF086  }
0x1c: {  	p1 =	slt.u32 s9, $0xF7A;
	s5 =	simm.s32 @!p2 $0x0  }
0x1d: {  	s5 =	simm.s32 @p1 $0x1;
	p0 =	seq.s32 s7, s2  }
0x1e: {  	s7 =	smul.u32 @!p0 $0xF7A, s2;
	p2 =	seq.s32 @!p0 s5, $0x0  }
0x1f: {  	s9 =	smul.u32 $0xF7A, s1;
	s8 =	simm.s32 @!p0 $0x1BF5;
	p2 =	por !p2, p0  }
0x20: {  	[sflag:s8] =	ssyncset.s32 @!p0 $0xFFFFF086;
	s6 =	sadd.s32 @!p0 s3, s7;
	s7 =	simm.s32 @!p0 $0x108  }
0x21: {  	s3 =	sadd.s32 s3, s9;
	s6 =	sadd.s32 @!p0 $0x88, s6;
	s7 =	simm.s32 @p2 $0x1082  }
0x22: {  	[simem:s7], [sflag:s8] =	dma.local @!p0 [hbm:s6], $0xF7A  }
0x23: {  	s9 =	sor.u32 $0xD0000000, s2;
	s6 =	simm.s32 $0x108;
	_ =	swait.ge @!p0 [sflag:s8], $0x0  }
0x24: {  	s3 =	sadd.s32 $0x88, s3;
	s6 =	simm.s32 @!p1 $0x1082;
	[sflag:s4] =	ssyncset.s32 $0xFFFFF086  }
0x25: {  	[simem:s6], [sflag:s4] =	dma.local [hbm:s3], $0xF7A  }
0x26: {  	[smem:$0x3F92] =	sst s1;
	(tag) =	ssettag s2;
	_ =	strace s9  }
0x27: {  	s1 =	sld [smem:$0x3FA2]  }
0x28: {  	s2 =	sld [smem:$0x3FA3]  }
0x29: {  	s4 =	sld [smem:$0x3FA5]  }
0x2a: {  	p0 =	seq.s32 s5, $0x0;
	s5 =	sld [smem:$0x3FA6]  }
0x2b: {  	s6 =	sld [smem:$0x3FA7]  }
0x2c: {  	s7 =	sld [smem:$0x3FA8]  }
0x2d: {  	s3 =	simm.s32 $0x108;
	s8 =	sld [smem:$0x3FA9]  }
0x2e: {  	s3 =	simm.s32 @!p0 $0x1082;
	s9 =	sld [smem:$0x3FAA]  }
0x2f: {  	lr =	sadd.s32 s0, s3;
	s0 =	sld [smem:$0x3FA1]  }
0x30: {  	s3 =	sld [smem:$0x3FA4]  }
0x31: {  	[smem:$0x3FAD] =	sst s10  }
0x32: {  	s10 =	sld [smem:$0x3FAB];
	_ =	sdelay $0x3  }
0x33: {  	p0 =	seq.s32 s10, $0x1;
	s10 =	sld [smem:$0x3FAD];
	_ =	sdelay $0x3  }
0x34: {  	[smem:$0x3FAD] =	sst s10  }
0x35: {  	s10 =	sld [smem:$0x3FAC];
	_ =	sdelay $0x3  }
0x36: {  	p1 =	seq.s32 s10, $0x1;
	s10 =	sld [smem:$0x3FAD];
	_ =	sdelay $0x3  }
0x37: {  	[smem:$0x3FAD] =	sst s10  }
0x38: {  	s10 =	sld [smem:$0x3FAE]  }
0x39: {  	_ = 	snop;
	(pc) =	sbr.ind lr, $3  }
0x3a: {  	_ = 	snop  }
0x3b: {  	_ = 	snop  }
0x3c: {  	p2 =	seq.s32 s10, $0x1;
	s10 =	sld [smem:$0x3FAD]  }
0x3d: {  	_ =	shalt  }
0x3e: {  	_ =	shalt  }
0x3f: {  	_ =	shalt  }
0x40: {  	_ =	shalt  }
0x41: {  	_ =	shalt  }
0x42: {  	_ =	shalt  }
0x43: {  	_ =	shalt  }
0x44: {  	_ =	shalt  }
0x45: {  	_ =	shalt  }
0x46: {  	_ =	shalt  }
0x47: {  	_ =	shalt  }
0x48: {  	_ =	shalt  }
0x49: {  	_ =	shalt  }
0x4a: {  	_ =	shalt  }
0x4b: {  	_ =	shalt  }
0x4c: {  	_ =	shalt  }
0x4d: {  	_ =	shalt  }
0x4e: {  	_ =	shalt  }
0x4f: {  	_ =	shalt  }
0x50: {  	_ =	shalt  }
0x51: {  	_ =	shalt  }
0x52: {  	_ =	shalt  }
0x53: {  	_ =	shalt  }
0x54: {  	_ =	shalt  }
0x55: {  	_ =	shalt  }
0x56: {  	_ =	shalt  }
0x57: {  	_ =	shalt  }
0x58: {  	_ =	shalt  }
0x59: {  	_ =	shalt  }
0x5a: {  	_ =	shalt  }
0x5b: {  	_ =	shalt  }
0x5c: {  	_ =	shalt  }
0x5d: {  	_ =	shalt  }
0x5e: {  	_ =	shalt  }
0x5f: {  	_ =	shalt  }
0x60: {  	_ =	shalt  }
0x61: {  	_ =	shalt  }
0x62: {  	_ =	shalt  }
0x63: {  	_ =	shalt  }
0x64: {  	_ =	shalt  }
0x65: {  	_ =	shalt  }
0x66: {  	_ =	shalt  }
0x67: {  	_ =	shalt  }
0x68: {  	_ =	shalt  }
0x69: {  	_ =	shalt  }
0x6a: {  	_ =	shalt  }
0x6b: {  	_ =	shalt  }
0x6c: {  	_ =	shalt  }
0x6d: {  	_ =	shalt  }
0x6e: {  	_ =	shalt  }
0x6f: {  	_ =	shalt  }
0x70: {  	_ =	shalt  }
0x71: {  	_ =	shalt  }
0x72: {  	_ =	shalt  }
0x73: {  	_ =	shalt  }
0x74: {  	_ =	shalt  }
0x75: {  	_ =	shalt  }
0x76: {  	_ =	shalt  }
0x77: {  	_ =	shalt  }
0x78: {  	_ =	shalt  }
0x79: {  	_ =	shalt  }
0x7a: {  	_ =	shalt  }
0x7b: {  	_ =	shalt  }
0x7c: {  	_ =	shalt  }
0x7d: {  	_ =	shalt  }
0x7e: {  	_ =	shalt  }
0x7f: {  	_ =	shalt  }
0x80: {  	_ =	shalt  }
0x81: {  	_ =	shalt  }
0x82: {  	_ =	shalt  }
0x83: {  	_ =	shalt  }
0x84: {  	_ =	shalt  }
0x85: {  	_ =	shalt  }
0x86: {  	_ =	shalt  }
0x87: {  	_ =	shalt  }
.Lfunc_end0:
.L_simem_size_0:
called_computation.1_lowered:
.L_overlay_start_0:
0x88: {  	s2 =	sld [smem:$0x3FD9]  }
0x89: {  	s3 =	sld [smem:$0x3FFE];
	_ =	sdelay $0x1  }
0x8a: {  	s1 =	srdreg.scid  }
0x8b: {  	s0 =	sand.u32 $0x1, s1  }
0x8c: {  	s16 =	sshll.u32 s0, $0xA;
	s2 =	sadd.s32 s3, s2  }
0x8d: {  	s2 =	sadd.s32 s2, s16  }
0x8e: {  	[smem:$0x3FB9] =	sst s2  }
0x8f: {  	_ = 	snop  }
0x90: {  	(tm) =	ssettm $0x1  }
0x91: {  	s17 =	sld [smem:$0x3FFB];
	_ =	sdelay $0x3  }
0x92: {  	_ =	strace s17  }
0x93: {  	s2 =	sld [smem:$0x3FFC];
	_ =	sdelay $0x3  }
0x94: {  	_ =	strace s2  }
0x95: {  	s2 =	sld [smem:$0x3FFD];
	_ =	sdelay $0x3  }
0x96: {  	_ =	strace s2  }
0x97: {  	_ =	strace $0x8FFFFFFF  }
0x98: {  	s18 =	sld [smem:$0x3FDB];
	_ =	sdelay $0x1  }
0x99: {  	s19 =	simm.s32 $_scs_section_size  }
0x9a: {  	s4 =	simm.s32 $_size__tile_overlayer_lowered;
	s5 =	simm.s32 $_tile_overlayer_lowered  }
0x9b: {  	s22 =	simm.s32 $0x1BFF;
	s21 =	sshll.u32 s5, $0x1;
	s2 =	sadd.s32 s19, s18  }
0x9c: {  	s6 =	simm.s32 $0x0;
	s20 =	sshll.u32 s4, $0x1;
	s4 =	sadd.s32 s21, s2  }
0x9d: {  	[timem:s6], [sflag:s22] =	dma.local [hbm:s4], s20  }
0x9e: {  	_ =	swait.ge [sflag:s22], s20  }
0x9f: {  	s3 =	ssub.s32 $0x0, s20;
	[sflag:s22] =	ssyncset.done $0x0  }
0xa0: {  	[sflag:s22] =	ssyncadd.s32 s3;
	_ =	sdelay $0x1  }
0xa1: {  	s23 =	simm.s32 $0x1B8B  }
0xa2: {  	_ =	swait.ge [sflag:s23], $0x1  }
0xa3: {  	[sflag:s23] =	ssyncset.done $0x0  }
0xa4: {  	s25 =	simm.s32 $0x1B8E;
	s24 =	sld [smem:$0x3FFE];
	[sflag:s23] =	ssyncadd.s32 $0xFFFFFFFF  }
0xa5: {  	s26 =	simm.s32 $execute0_lowered;
	[smem:$0x3FD2] =	sst s25  }
0xa6: {  	s4 =	sshll.u32 s26, $0x1;
	_ =	strace $0x80000049;
	[dreg:$0x1] =	wrdreg $0xFFFFFFFF  }
0xa7: {  	s28 =	simm.s32 $_size_execute0_lowered;
	s2 =	sadd.s32 s2, s4;
	[dreg:$0x0] =	wrdreg $0x0  }
0xa8: {  	s4 =	sshll.u32 s28, $0x1;
	[dreg:$0x2] =	wrdreg s2  }
0xa9: {  	[dreg:$0x3] =	wrdreg s4  }
0xaa: {  	[dreg:$0x4] =	wrdreg $0xC0  }
0xab: {  	_ =	task [dreg:s6], $0x5FFFF  }
0xac: {  	[dreg:$0x1] =	wrdreg $0xFFFFFFFF  }
0xad: {  	[dreg:$0x0] =	wrdreg $0x60  }
0xae: {  	[dreg:$0x2] =	wrdreg s24  }
0xaf: {  	[dreg:$0x3] =	wrdreg $0x70000  }
0xb0: {  	[dreg:$0x4] =	wrdreg $0x9  }
0xb1: {  	_ =	task.clear_ibuf [dreg:s6], $0x5FFFF;
	_ =	strace $0x90000049  }
0xb2: {  	s29 =	simm.s32 $0x9;
	_ =	strace $0x8000004B  }
0xb3: {  	_ =	swait.ge [sflag:s29], $0x1  }
0xb4: {  	[sflag:s29] =	ssyncadd.s32 $0xFFFFFFFF  }
0xb5: {  	_ =	strace $0x9000004B  }
0xb6: {  	_ =	sfence  }
0xb7: {  	s30 =	sld [smem:$0x0];
	_ =	sdelay $0x2  }
0xb8: {  	s31 =	sshll.u32 s1, $0xD;
	s1 =	sshrl.u32 s1, $0x2  }
0xb9: {  	s3 =	sand.u32 $0x4000, s31;
	s1 =	sadd.s32 s1, s30  }
0xba: {  	s0 =	sor.u32 s3, s0;
	s1 =	sshll.u32 s1, $0x11  }
0xbb: {  	s0 =	sor.u32 s1, s0  }
0xbc: {  	s0 =	sadd.s32 $0x8F2B, s0  }
0xbd: {  	[sflag:s0] =	ssyncadd.remote.s32 $0x1  }
0xbe: {  	_ =	sfence.sel $0xFFFF  }
0xbf: {  	[dreg:$0x0] =	wrdreg $0xFFFFFFFF;
	(pc) =	sbr.abs _section_cstart, $3  }
0xc0: {  	[dreg:$0x1] =	wrdreg $0xFFFFFFFF  }
0xc1: {  	_ =	task.clear_ibuf [dreg:s6], $0x2FFFF;
	_ =	strace $0x9FFFFFFF  }
0xc2: {  	(tm) =	ssettm $0x7FFFFFFF  }
0xc3: {  	_ =	shalt  }
tec
execute0_lowered:
.L_overlay_start_1:
0x0: {  	(tag) =	ssettag $0x1  }
0x1: {  	s0 =	srdreg.scid;
	s6 =	rddreg [dreg:$0x0]  }
0x2: {  	s4 =	stileid.u32;
	s2 =	rddreg [dreg:$0x1];
	s3 =	simm.s32 $0x0  }
0x3: {  	s15 =	simm.s32 $0x5000;
	s16 =	simm.s32 $0x5;
	s18 =	simm.s32 $0x80  }
0x4: {  	s19 =	simm.s32 $0x5800;
	s21 =	simm.s32 $0x6000;
	s23 =	simm.s32 $0x6800  }
0x5: {  	s24 =	simm.s32 $0x1;
	s28 =	simm.s32 $0x4;
	s29 =	simm.s32 $0x4E00  }
0x6: {  	s30 =	simm.s32 $0x4E80;
	s31 =	simm.s32 $0x4F00;
	s0 =	sand.u32 $0x1, s0  }
0x7: {  	s1 =	sshll.u32 s4, $0x1;
	s7 =	smul.u32 $0x500, s4;
	[smem:$0x7FF] =	sst s3  }
0x8: {  	s9 =	smul.u32 $0xA000, s4;
	s4 =	sadd.s32 $0x34400, s6;
	s5 =	sadd.s32 $0xD000, s6  }
0x9: {  	s1 =	sor.u32 s0, s1;
	s8 =	smul.u32 $0x5000, s0;
	s0 =	ssub.s32 $0x2, s0  }
0xa: {  	_ =	strace $0x8000004A;
	s1 =	smul.u32 $0x500, s1;
	s26 =	sshrl.u32 s0, $0x1  }
0xb: {  	s25 =	sshrl.u32 s9, $0x2;
	s7 =	sadd.s32 s7, s8;
	s0 =	ssub.s32 s0, s26  }
0xc: {  	s26 =	simm.s32 $0x3;
	s1 =	sadd.s32 s1, s6;
	s13 =	sadd.s32 s7, s6  }
0xd: {  	s6 =	sadd.s32 s25, s2;
	s14 =	smax.u32 s0, $0x1;
	s25 =	simm.s32 $0x2  }
0xe: {  	s0 =	simm.s32 $0x0;
	s7 =	sadd.s32 $0x800, s6;
	s8 =	sadd.s32 $0x1000, s6  }
0xf: {  	s9 =	sadd.s32 $0x1800, s6;
	s10 =	sadd.s32 $0x2000, s6;
	s11 =	sadd.s32 $0x3E600, s1  }
0x10: {  	s12 =	sadd.s32 $0x3000, s1;
	s13 =	sadd.s32 $0x6F800, s13;
	s1 =	simm.s32 $0x4F80  }
.LBB2_1:
0x11: {  	[tilespmem:s15], [sflag:$0x5] =	stream.linear.gather [hbm4b:s5+s3], $0x800, $0x38;
	[tilespmem:$0x9800] =	vst v63  }
0x12: {  	_ =	swait.ge [sflag:s16], $0x800  }
0x13: {  	[sflag:s16] =	ssyncset.done $0x0  }
0x14: {  	[sflag:s16] =	ssyncadd.s32 $0xFFFFF800  }
0x15: {  	[spmem:s6] =	stream.linear.scatter [tilespmem:s15], [sflag:$0x5], $0x800, $0x38;
	[tilespmem:$0x9800] =	vst v63  }
0x16: {  	_ =	swait.ge [sflag:s16], $0x800  }
0x17: {  	[sflag:s16] =	ssyncset.done $0x0  }
0x18: {  	[sflag:s16] =	ssyncadd.s32 $0xFFFFF800  }
0x19: {  	[spmem:s7] =	stream.linear.scatter [tilespmem:s15], [sflag:$0x5], $0x800, $0x38;
	[tilespmem:$0x9800] =	vst v63  }
0x1a: {  	_ =	swait.ge [sflag:s16], $0x800  }
0x1b: {  	[sflag:s16] =	ssyncset.done $0x0  }
0x1c: {  	[sflag:s16] =	ssyncadd.s32 $0xFFFFF800  }
0x1d: {  	[spmem:s8] =	stream.linear.scatter [tilespmem:s15], [sflag:$0x5], $0x800, $0x38;
	[tilespmem:$0x9800] =	vst v63  }
0x1e: {  	_ =	swait.ge [sflag:s16], $0x800  }
0x1f: {  	[sflag:s16] =	ssyncset.done $0x0  }
0x20: {  	[sflag:s16] =	ssyncadd.s32 $0xFFFFF800  }
0x21: {  	[spmem:s9] =	stream.linear.scatter [tilespmem:s15], [sflag:$0x5], $0x800, $0x38;
	[tilespmem:$0x9800] =	vst v63  }
0x22: {  	_ =	swait.ge [sflag:s16], $0x800  }
0x23: {  	[sflag:s16] =	ssyncset.done $0x0  }
0x24: {  	[sflag:s16] =	ssyncadd.s32 $0xFFFFF800  }
0x25: {  	[spmem:s10] =	stream.linear.scatter [tilespmem:s15], [sflag:$0x5], $0x800, $0x38;
	[tilespmem:$0x9800] =	vst v63  }
0x26: {  	_ =	swait.ge [sflag:s16], $0x800  }
0x27: {  	[sflag:s16] =	ssyncset.done $0x0  }
0x28: {  	[sflag:s16] =	ssyncadd.s32 $0xFFFFF800  }
0x29: {  	[tilespmem:s3], [sflag:$0x5] =	stream.linear.gather [hbm4b:s11+s3], $0x2800, $0x38;
	[tilespmem:$0x9800] =	vst v63  }
0x2a: {  	_ =	swait.ge [sflag:s16], $0x2800  }
0x2b: {  	[sflag:s16] =	ssyncset.done $0x0  }
0x2c: {  	s17 =	simm.s32 $0x2800;
	[sflag:s16] =	ssyncadd.s32 $0xFFFFD800  }
0x2d: {  	[tilespmem:s17], [sflag:$0x5] =	stream.linear.gather [hbm4b:s12+s3], $0x2800, $0x38;
	[tilespmem:$0x9800] =	vst v63  }
0x2e: {  	_ =	swait.ge [sflag:s16], $0x2800  }
0x2f: {  	[sflag:s16] =	ssyncset.done $0x0  }
0x30: {  	[sflag:s16] =	ssyncadd.s32 $0xFFFFD800  }
0x31: {  	[bflag:$0x0] =	sbarrier.arrive $0xFFFF  }
0x32: {  	[tilespmem:s15], [sflag:$0x1] =	stream.indirect.gather [hbm4b:s4+s18], $0x10, s3, s18, $0xb8;
	[tilespmem:$0x9800] =	vst v63  }
0x33: {  	_ = 	snop  }
0x34: {  	[tilespmem:s19], [sflag:$0x2] =	stream.indirect.gather [hbm4b:s4+s18], $0x10, s18, s18, $0xb8;
	[tilespmem:$0x9800] =	vst v63  }
0x35: {  	s22 =	simm.s32 $0x100  }
0x36: {  	[tilespmem:s21], [sflag:$0x3] =	stream.indirect.gather [hbm4b:s4+s18], $0x10, s22, s18, $0xb8;
	[tilespmem:$0x9800] =	vst v63  }
0x37: {  	s20 =	simm.s32 $0x180  }
0x38: {  	[tilespmem:s23], [sflag:$0x4] =	stream.indirect.gather [hbm4b:s4+s18], $0x10, s20, s18, $0xb8;
	[tilespmem:$0x9800] =	vst v63  }
0x39: {  	_ =	swait.ge [sflag:s24], $0x800  }
0x3a: {  	[sflag:s24] =	ssyncset.done $0x0  }
0x3b: {  	s22 =	simm.s32 $0x2800;
	[sflag:s24] =	ssyncadd.s32 $0xFFFFF800  }
0x3c: {  	[spmem:s2] =	stream.indirect.scatter.add.f32 [tilespmem:s15], [sflag:$0x5], $0x10, s22, s18, $0xb8;
	[tilespmem:$0x9800] =	vst v63  }
0x3d: {  	_ =	swait.ge [sflag:s16], $0x800  }
0x3e: {  	[sflag:s16] =	ssyncset.done $0x0  }
0x3f: {  	s20 =	simm.s32 $0x200;
	[sflag:s16] =	ssyncadd.s32 $0xFFFFF800  }
0x40: {  	[tilespmem:s15], [sflag:$0x1] =	stream.indirect.gather [hbm4b:s4+s18], $0x10, s20, s18, $0xb8;
	[tilespmem:$0x9800] =	vst v63  }
0x41: {  	_ =	swait.ge [sflag:s25], $0x800  }
0x42: {  	[sflag:s25] =	ssyncset.done $0x0  }
0x43: {  	s22 =	simm.s32 $0x2880;
	[sflag:s25] =	ssyncadd.s32 $0xFFFFF800  }
0x44: {  	[spmem:s2] =	stream.indirect.scatter.add.f32 [tilespmem:s19], [sflag:$0x5], $0x10, s22, s18, $0xb8;
	[tilespmem:$0x9800] =	vst v63  }
0x45: {  	_ =	swait.ge [sflag:s16], $0x800  }
0x46: {  	[sflag:s16] =	ssyncset.done $0x0  }
0x47: {  	s20 =	simm.s32 $0x280;
	[sflag:s16] =	ssyncadd.s32 $0xFFFFF800  }
0x48: {  	[tilespmem:s19], [sflag:$0x2] =	stream.indirect.gather [hbm4b:s4+s18], $0x10, s20, s18, $0xb8;
	[tilespmem:$0x9800] =	vst v63  }
0x49: {  	_ =	swait.ge [sflag:s26], $0x800  }
0x4a: {  	[sflag:s26] =	ssyncset.done $0x0  }
0x4b: {  	s22 =	simm.s32 $0x2900;
	[sflag:s26] =	ssyncadd.s32 $0xFFFFF800  }
0x4c: {  	[spmem:s2] =	stream.indirect.scatter.add.f32 [tilespmem:s21], [sflag:$0x5], $0x10, s22, s18, $0xb8;
	[tilespmem:$0x9800] =	vst v63  }
0x4d: {  	_ =	swait.ge [sflag:s16], $0x800  }
0x4e: {  	[sflag:s16] =	ssyncset.done $0x0  }
0x4f: {  	s20 =	simm.s32 $0x300;
	[sflag:s16] =	ssyncadd.s32 $0xFFFFF800  }
0x50: {  	[tilespmem:s21], [sflag:$0x3] =	stream.indirect.gather [hbm4b:s4+s18], $0x10, s20, s18, $0xb8;
	[tilespmem:$0x9800] =	vst v63  }
0x51: {  	_ =	swait.ge [sflag:s28], $0x800  }
0x52: {  	[sflag:s28] =	ssyncset.done $0x0  }
0x53: {  	s22 =	simm.s32 $0x2980;
	[sflag:s28] =	ssyncadd.s32 $0xFFFFF800  }
0x54: {  	[spmem:s2] =	stream.indirect.scatter.add.f32 [tilespmem:s23], [sflag:$0x5], $0x10, s22, s18, $0xb8;
	[tilespmem:$0x9800] =	vst v63  }
0x55: {  	_ =	swait.ge [sflag:s16], $0x800  }
0x56: {  	[sflag:s16] =	ssyncset.done $0x0  }
0x57: {  	s17 =	simm.s32 $0x800;
	s20 =	simm.s32 $0x380;
	[sflag:s16] =	ssyncadd.s32 $0xFFFFF800  }
.LBB2_2:
0x58: {  	[tilespmem:s23], [sflag:$0x4] =	stream.indirect.gather [hbm4b:s4+s18], $0x10, s20, s18, $0xb8;
	[tilespmem:$0x9800] =	vst v63  }
0x59: {  	s20 =	smov.u32 s17  }
0x5a: {  	p0 =	sne.s32 s17, $0x9000;
	s17 =	sadd.s32 $0x800, s17;
	_ =	swait.ge [sflag:s24], $0x800  }
0x5b: {  	s20 =	sshra.s32 s20, $0x2;
	[sflag:s24] =	ssyncset.done $0x0  }
0x5c: {  	s22 =	sadd.s32 $0x2800, s20;
	[sflag:s24] =	ssyncadd.s32 $0xFFFFF800  }
0x5d: {  	[spmem:s2] =	stream.indirect.scatter.add.f32 [tilespmem:s15], [sflag:$0x5], $0x10, s22, s18, $0xb8;
	[tilespmem:$0x9800] =	vst v63  }
0x5e: {  	_ =	swait.ge [sflag:s16], $0x800  }
0x5f: {  	[sflag:s16] =	ssyncset.done $0x0  }
0x60: {  	s22 =	sadd.s32 $0x200, s20;
	[sflag:s16] =	ssyncadd.s32 $0xFFFFF800  }
0x61: {  	[tilespmem:s15], [sflag:$0x1] =	stream.indirect.gather [hbm4b:s4+s18], $0x10, s22, s18, $0xb8;
	[tilespmem:$0x9800] =	vst v63  }
0x62: {  	_ =	swait.ge [sflag:s25], $0x800  }
0x63: {  	[sflag:s25] =	ssyncset.done $0x0  }
0x64: {  	s22 =	sadd.s32 $0x2880, s20;
	[sflag:s25] =	ssyncadd.s32 $0xFFFFF800  }
0x65: {  	[spmem:s2] =	stream.indirect.scatter.add.f32 [tilespmem:s19], [sflag:$0x5], $0x10, s22, s18, $0xb8;
	[tilespmem:$0x9800] =	vst v63  }
0x66: {  	_ =	swait.ge [sflag:s16], $0x800  }
0x67: {  	[sflag:s16] =	ssyncset.done $0x0  }
0x68: {  	s22 =	sadd.s32 $0x280, s20;
	[sflag:s16] =	ssyncadd.s32 $0xFFFFF800  }
0x69: {  	[tilespmem:s19], [sflag:$0x2] =	stream.indirect.gather [hbm4b:s4+s18], $0x10, s22, s18, $0xb8;
	[tilespmem:$0x9800] =	vst v63  }
0x6a: {  	_ =	swait.ge [sflag:s26], $0x800  }
0x6b: {  	[sflag:s26] =	ssyncset.done $0x0  }
0x6c: {  	s22 =	sadd.s32 $0x2900, s20;
	[sflag:s26] =	ssyncadd.s32 $0xFFFFF800  }
0x6d: {  	[spmem:s2] =	stream.indirect.scatter.add.f32 [tilespmem:s21], [sflag:$0x5], $0x10, s22, s18, $0xb8;
	[tilespmem:$0x9800] =	vst v63  }
0x6e: {  	_ =	swait.ge [sflag:s16], $0x800  }
0x6f: {  	[sflag:s16] =	ssyncset.done $0x0  }
0x70: {  	s22 =	sadd.s32 $0x300, s20;
	[sflag:s16] =	ssyncadd.s32 $0xFFFFF800  }
0x71: {  	[tilespmem:s21], [sflag:$0x3] =	stream.indirect.gather [hbm4b:s4+s18], $0x10, s22, s18, $0xb8;
	[tilespmem:$0x9800] =	vst v63  }
0x72: {  	_ =	swait.ge [sflag:s28], $0x800  }
0x73: {  	[sflag:s28] =	ssyncset.done $0x0  }
.Ltmp0:
0x74: {  	s22 =	sadd.s32 $0x2980, s20;
	[sflag:s28] =	ssyncadd.s32 $0xFFFFF800;
	(pc) =	sbr.rel @p0 .LBB2_2-.Ltmp0, $4  }
0x75: {  	[spmem:s2] =	stream.indirect.scatter.add.f32 [tilespmem:s23], [sflag:$0x5], $0x10, s22, s18, $0xb8;
	[tilespmem:$0x9800] =	vst v63  }
0x76: {  	_ =	swait.ge [sflag:s16], $0x800  }
0x77: {  	[sflag:s16] =	ssyncset.done $0x0  }
0x78: {  	s20 =	sadd.s32 $0x380, s20;
	[sflag:s16] =	ssyncadd.s32 $0xFFFFF800  }
0x79: {  	[tilespmem:s23], [sflag:$0x4] =	stream.indirect.gather [hbm4b:s4+s18], $0x10, s20, s18, $0xb8;
	[tilespmem:$0x9800] =	vst v63  }
0x7a: {  	_ =	swait.ge [sflag:s24], $0x800  }
0x7b: {  	[sflag:s24] =	ssyncset.done $0x0  }
0x7c: {  	[sflag:s24] =	ssyncadd.s32 $0xFFFFF800  }
0x7d: {  	[spmem:s2] =	stream.indirect.scatter.add.f32 [tilespmem:s15], [sflag:$0x5], $0x10, s29, s18, $0xb8;
	[tilespmem:$0x9800] =	vst v63  }
0x7e: {  	_ =	swait.ge [sflag:s16], $0x800  }
0x7f: {  	[sflag:s16] =	ssyncset.done $0x0  }
0x80: {  	[sflag:s16] =	ssyncadd.s32 $0xFFFFF800  }
0x81: {  	_ =	swait.ge [sflag:s25], $0x800  }
0x82: {  	[sflag:s25] =	ssyncset.done $0x0  }
0x83: {  	[sflag:s25] =	ssyncadd.s32 $0xFFFFF800  }
0x84: {  	[spmem:s2] =	stream.indirect.scatter.add.f32 [tilespmem:s19], [sflag:$0x5], $0x10, s30, s18, $0xb8;
	[tilespmem:$0x9800] =	vst v63  }
0x85: {  	_ =	swait.ge [sflag:s16], $0x800  }
0x86: {  	[sflag:s16] =	ssyncset.done $0x0  }
0x87: {  	[sflag:s16] =	ssyncadd.s32 $0xFFFFF800  }
0x88: {  	_ =	swait.ge [sflag:s26], $0x800  }
0x89: {  	[sflag:s26] =	ssyncset.done $0x0  }
0x8a: {  	[sflag:s26] =	ssyncadd.s32 $0xFFFFF800  }
0x8b: {  	[spmem:s2] =	stream.indirect.scatter.add.f32 [tilespmem:s21], [sflag:$0x5], $0x10, s31, s18, $0xb8;
	[tilespmem:$0x9800] =	vst v63  }
0x8c: {  	_ =	swait.ge [sflag:s16], $0x800  }
0x8d: {  	[sflag:s16] =	ssyncset.done $0x0  }
0x8e: {  	[sflag:s16] =	ssyncadd.s32 $0xFFFFF800  }
0x8f: {  	_ =	swait.ge [sflag:s28], $0x800  }
0x90: {  	[sflag:s28] =	ssyncset.done $0x0  }
0x91: {  	[sflag:s28] =	ssyncadd.s32 $0xFFFFF800  }
0x92: {  	[spmem:s2] =	stream.indirect.scatter.add.f32 [tilespmem:s23], [sflag:$0x5], $0x10, s1, s18, $0xb8;
	[tilespmem:$0x9800] =	vst v63  }
0x93: {  	s17 =	stileid.u32;
	_ =	swait.ge [sflag:s16], $0x800  }
0x94: {  	s22 =	sshrl.u32 s6, $0x3;
	s0 =	sadd.s32 $0x1, s0;
	[sflag:s16] =	ssyncset.done $0x0  }
0x95: {  	s17 =	sshll.u32 s17, $0x6;
	p0 =	sne.s32 s0, s14;
	[sflag:s16] =	ssyncadd.s32 $0xFFFFF800  }
.Ltmp1:
0x96: {  	s17 =	sor.u32 $0x1C05, s17;
	[bflag:$0x0] =	sbarrier.arrive $0xFFFF;
	(pc) =	sbr.rel @p0 .LBB2_1-.Ltmp1, $4  }
0x97: {  	[hbm:s13], [sflag:s17] =	dma.local [spmem:s22], $0x500  }
0x98: {  	_ =	swait.ge [sflag:s16], $0x500  }
0x99: {  	[sflag:s16] =	ssyncset.done $0x0  }
0x9a: {  	[sflag:s16] =	ssyncadd.s32 $0xFFFFFB00  }
0x9b: {  	_ =	sfence.sel $0x180000  }
0x9c: {  	[bflag:$0x0] =	sbarrier.arrive $0xFFFF  }
0x9d: {  	_ =	strace $0x9000004A  }
0x9e: {  	s0 =	stileid.u32;
	[bflag:$0x2] =	sbarrier.arrive $0xFFFF  }
0x9f: {  	p0 =	sne.s32 s0, $0x0;
	s0 =	rddreg [dreg:$0x2]  }
0xa0: {  	s0 =	sadd.s32 @!p0 $0x100000, s0  }
0xa1: {  	[sflag:s0] =	ssyncadd.tile.s32 @!p0 $0x1;
	_ =	shalt  }
.Lfunc_end2:
_tile_overlayer_lowered:
.L_overlay_start_2:
0xa2: {  	(tag) =	ssettag $0x2  }
0xa3: {  	s0 =	rddreg [dreg:$0x0];
	s2 =	stileid.u32  }
0xa4: {  	s1 =	rddreg [dreg:$0x1];
	p0 =	sne.s32 s2, $0x0  }
0xa5: {  	s3 =	rddreg [dreg:$0x2];
	[bflag:$0x3] =	sbarrier.arrive $0xFFFF;
	s2 =	simm.s32 @!p0 $0x1C05  }
0xa6: {  	[timem:s3], [sflag:s2] =	dma.local @!p0 [hbm:s0], s1  }
0xa7: {  	s0 =	simm.s32 @!p0 $0x5  }
0xa8: {  	_ =	swait.ge @!p0 [sflag:s0], s1  }
0xa9: {  	s1 =	ssub.s32 @!p0 $0x0, s1;
	[sflag:s0] =	ssyncset.done @!p0 $0x0  }
0xaa: {  	[sflag:s0] =	ssyncadd.s32 @!p0 s1  }
0xab: {  	[bflag:$0x3] =	sbarrier.arrive $0xFFFF  }
0xac: {  	_ =	shalt  }

// kernel: kernel.15.cloned.1.call-start
scs
__scs_entry_jumppad:
0x0: {  	(pc) =	sbr.rel $0x88, $3  }
0x1: {  	(tag) =	ssettag $0x0;
	lr =	simm.s32 $0x1  }
0x2: {  	[smem:$0x3F92] =	sst lr;
	_ =	strace $0xD0000000  }
0x3: {  	_ = 	snop  }
0x4: {  	_ = 	snop  }
0x5: {  	_ = 	snop  }
0x6: {  	_ = 	snop  }
0x7: {  	_ = 	snop  }
__scs_overlays_trampoline_lowered:
0x8: {  	[smem:$0x3FA1] =	sst s0  }
0x9: {  	[smem:$0x3FA2] =	sst s1  }
0xa: {  	[smem:$0x3FA3] =	sst s2  }
0xb: {  	[smem:$0x3FA4] =	sst s3  }
0xc: {  	[smem:$0x3FA5] =	sst s4  }
0xd: {  	[smem:$0x3FA6] =	sst s5  }
0xe: {  	[smem:$0x3FA7] =	sst s6  }
0xf: {  	[smem:$0x3FA8] =	sst s7  }
0x10: {  	[smem:$0x3FA9] =	sst s8  }
0x11: {  	[smem:$0x3FAA] =	sst s9;
	s0 =	simm.s32 @!p0 $0x0  }
0x12: {  	s1 =	sld [smem:$0x3F90];
	s0 =	simm.s32 @p0 $0x1  }
0x13: {  	[smem:$0x3FAB] =	sst s0;
	s0 =	simm.s32 @!p1 $0x0  }
0x14: {  	s2 =	sld [smem:$0x3F8F];
	s0 =	simm.s32 @p1 $0x1  }
0x15: {  	[smem:$0x3FAC] =	sst s0;
	s0 =	simm.s32 @!p2 $0x0  }
0x16: {  	s3 =	sld [smem:$0x3FDB];
	s0 =	simm.s32 @p2 $0x1  }
0x17: {  	s4 =	simm.s32 $0x1BF5;
	[smem:$0x3FAE] =	sst s0  }
0x18: {  	s0 =	sld [smem:$0x3F91];
	_ =	swait.ge [sflag:s4], $0x0  }
0x19: {  	s7 =	sld [smem:$0x3F92]  }
0x1a: {  	s8 =	sadd.s32 $0xFFFFE003, lr  }
0x1b: {  	s9 =	sadd.s32 $0xFFFFFEF7, lr;
	s5 =	simm.s32 $0xFFFFFFFF;
	p2 =	slt.u32 s8, $0xFFFFF086  }
0x1c: {  	p1 =	slt.u32 s9, $0xF7A;
	s5 =	simm.s32 @!p2 $0x0  }
0x1d: {  	s5 =	simm.s32 @p1 $0x1;
	p0 =	seq.s32 s7, s2  }
0x1e: {  	s7 =	smul.u32 @!p0 $0xF7A, s2;
	p2 =	seq.s32 @!p0 s5, $0x0  }
0x1f: {  	s9 =	smul.u32 $0xF7A, s1;
	s8 =	simm.s32 @!p0 $0x1BF5;
	p2 =	por !p2, p0  }
0x20: {  	[sflag:s8] =	ssyncset.s32 @!p0 $0xFFFFF086;
	s6 =	sadd.s32 @!p0 s3, s7;
	s7 =	simm.s32 @!p0 $0x108  }
0x21: {  	s3 =	sadd.s32 s3, s9;
	s6 =	sadd.s32 @!p0 $0x88, s6;
	s7 =	simm.s32 @p2 $0x1082  }
0x22: {  	[simem:s7], [sflag:s8] =	dma.local @!p0 [hbm:s6], $0xF7A  }
0x23: {  	s9 =	sor.u32 $0xD0000000, s2;
	s6 =	simm.s32 $0x108;
	_ =	swait.ge @!p0 [sflag:s8], $0x0  }
0x24: {  	s3 =	sadd.s32 $0x88, s3;
	s6 =	simm.s32 @!p1 $0x1082;
	[sflag:s4] =	ssyncset.s32 $0xFFFFF086  }
0x25: {  	[simem:s6], [sflag:s4] =	dma.local [hbm:s3], $0xF7A  }
0x26: {  	[smem:$0x3F92] =	sst s1;
	(tag) =	ssettag s2;
	_ =	strace s9  }
0x27: {  	s1 =	sld [smem:$0x3FA2]  }
0x28: {  	s2 =	sld [smem:$0x3FA3]  }
0x29: {  	s4 =	sld [smem:$0x3FA5]  }
0x2a: {  	p0 =	seq.s32 s5, $0x0;
	s5 =	sld [smem:$0x3FA6]  }
0x2b: {  	s6 =	sld [smem:$0x3FA7]  }
0x2c: {  	s7 =	sld [smem:$0x3FA8]  }
0x2d: {  	s3 =	simm.s32 $0x108;
	s8 =	sld [smem:$0x3FA9]  }
0x2e: {  	s3 =	simm.s32 @!p0 $0x1082;
	s9 =	sld [smem:$0x3FAA]  }
0x2f: {  	lr =	sadd.s32 s0, s3;
	s0 =	sld [smem:$0x3FA1]  }
0x30: {  	s3 =	sld [smem:$0x3FA4]  }
0x31: {  	[smem:$0x3FAD] =	sst s10  }
0x32: {  	s10 =	sld [smem:$0x3FAB];
	_ =	sdelay $0x3  }
0x33: {  	p0 =	seq.s32 s10, $0x1;
	s10 =	sld [smem:$0x3FAD];
	_ =	sdelay $0x3  }
0x34: {  	[smem:$0x3FAD] =	sst s10  }
0x35: {  	s10 =	sld [smem:$0x3FAC];
	_ =	sdelay $0x3  }
0x36: {  	p1 =	seq.s32 s10, $0x1;
	s10 =	sld [smem:$0x3FAD];
	_ =	sdelay $0x3  }
0x37: {  	[smem:$0x3FAD] =	sst s10  }
0x38: {  	s10 =	sld [smem:$0x3FAE]  }
0x39: {  	_ = 	snop;
	(pc) =	sbr.ind lr, $3  }
0x3a: {  	_ = 	snop  }
0x3b: {  	_ = 	snop  }
0x3c: {  	p2 =	seq.s32 s10, $0x1;
	s10 =	sld [smem:$0x3FAD]  }
0x3d: {  	_ =	shalt  }
0x3e: {  	_ =	shalt  }
0x3f: {  	_ =	shalt  }
0x40: {  	_ =	shalt  }
0x41: {  	_ =	shalt  }
0x42: {  	_ =	shalt  }
0x43: {  	_ =	shalt  }
0x44: {  	_ =	shalt  }
0x45: {  	_ =	shalt  }
0x46: {  	_ =	shalt  }
0x47: {  	_ =	shalt  }
0x48: {  	_ =	shalt  }
0x49: {  	_ =	shalt  }
0x4a: {  	_ =	shalt  }
0x4b: {  	_ =	shalt  }
0x4c: {  	_ =	shalt  }
0x4d: {  	_ =	shalt  }
0x4e: {  	_ =	shalt  }
0x4f: {  	_ =	shalt  }
0x50: {  	_ =	shalt  }
0x51: {  	_ =	shalt  }
0x52: {  	_ =	shalt  }
0x53: {  	_ =	shalt  }
0x54: {  	_ =	shalt  }
0x55: {  	_ =	shalt  }
0x56: {  	_ =	shalt  }
0x57: {  	_ =	shalt  }
0x58: {  	_ =	shalt  }
0x59: {  	_ =	shalt  }
0x5a: {  	_ =	shalt  }
0x5b: {  	_ =	shalt  }
0x5c: {  	_ =	shalt  }
0x5d: {  	_ =	shalt  }
0x5e: {  	_ =	shalt  }
0x5f: {  	_ =	shalt  }
0x60: {  	_ =	shalt  }
0x61: {  	_ =	shalt  }
0x62: {  	_ =	shalt  }
0x63: {  	_ =	shalt  }
0x64: {  	_ =	shalt  }
0x65: {  	_ =	shalt  }
0x66: {  	_ =	shalt  }
0x67: {  	_ =	shalt  }
0x68: {  	_ =	shalt  }
0x69: {  	_ =	shalt  }
0x6a: {  	_ =	shalt  }
0x6b: {  	_ =	shalt  }
0x6c: {  	_ =	shalt  }
0x6d: {  	_ =	shalt  }
0x6e: {  	_ =	shalt  }
0x6f: {  	_ =	shalt  }
0x70: {  	_ =	shalt  }
0x71: {  	_ =	shalt  }
0x72: {  	_ =	shalt  }
0x73: {  	_ =	shalt  }
0x74: {  	_ =	shalt  }
0x75: {  	_ =	shalt  }
0x76: {  	_ =	shalt  }
0x77: {  	_ =	shalt  }
0x78: {  	_ =	shalt  }
0x79: {  	_ =	shalt  }
0x7a: {  	_ =	shalt  }
0x7b: {  	_ =	shalt  }
0x7c: {  	_ =	shalt  }
0x7d: {  	_ =	shalt  }
0x7e: {  	_ =	shalt  }
0x7f: {  	_ =	shalt  }
0x80: {  	_ =	shalt  }
0x81: {  	_ =	shalt  }
0x82: {  	_ =	shalt  }
0x83: {  	_ =	shalt  }
0x84: {  	_ =	shalt  }
0x85: {  	_ =	shalt  }
0x86: {  	_ =	shalt  }
0x87: {  	_ =	shalt  }
.Lfunc_end0:
.L_simem_size_0:
called_computation.2_lowered:
.L_overlay_start_0:
0x88: {  	s2 =	sld [smem:$0x3FD9]  }
0x89: {  	s3 =	sld [smem:$0x3FFE];
	_ =	sdelay $0x1  }
0x8a: {  	s1 =	srdreg.scid  }
0x8b: {  	s0 =	sand.u32 $0x1, s1  }
0x8c: {  	s16 =	sshll.u32 s0, $0xA;
	s2 =	sadd.s32 s3, s2  }
0x8d: {  	s2 =	sadd.s32 s2, s16  }
0x8e: {  	[smem:$0x3FB9] =	sst s2  }
0x8f: {  	_ = 	snop  }
0x90: {  	(tm) =	ssettm $0x1  }
0x91: {  	s17 =	sld [smem:$0x3FFB];
	_ =	sdelay $0x3  }
0x92: {  	_ =	strace s17  }
0x93: {  	s2 =	sld [smem:$0x3FFC];
	_ =	sdelay $0x3  }
0x94: {  	_ =	strace s2  }
0x95: {  	s2 =	sld [smem:$0x3FFD];
	_ =	sdelay $0x3  }
0x96: {  	_ =	strace s2  }
0x97: {  	_ =	strace $0x8FFFFFFF  }
0x98: {  	s18 =	sld [smem:$0x3FDB];
	_ =	sdelay $0x1  }
0x99: {  	s19 =	simm.s32 $_scs_section_size  }
0x9a: {  	s4 =	simm.s32 $_size__tile_overlayer_lowered;
	s5 =	simm.s32 $_tile_overlayer_lowered  }
0x9b: {  	s22 =	simm.s32 $0x1BFF;
	s21 =	sshll.u32 s5, $0x1;
	s2 =	sadd.s32 s19, s18  }
0x9c: {  	s6 =	simm.s32 $0x0;
	s20 =	sshll.u32 s4, $0x1;
	s4 =	sadd.s32 s21, s2  }
0x9d: {  	[timem:s6], [sflag:s22] =	dma.local [hbm:s4], s20  }
0x9e: {  	_ =	swait.ge [sflag:s22], s20  }
0x9f: {  	s3 =	ssub.s32 $0x0, s20;
	[sflag:s22] =	ssyncset.done $0x0  }
0xa0: {  	[sflag:s22] =	ssyncadd.s32 s3;
	_ =	sdelay $0x1  }
0xa1: {  	s23 =	simm.s32 $0x1B8B  }
0xa2: {  	_ =	swait.ge [sflag:s23], $0x1  }
0xa3: {  	[sflag:s23] =	ssyncset.done $0x0  }
0xa4: {  	s25 =	simm.s32 $0x1B8E;
	s24 =	sld [smem:$0x3FFE];
	[sflag:s23] =	ssyncadd.s32 $0xFFFFFFFF  }
0xa5: {  	s26 =	simm.s32 $execute0_lowered;
	[smem:$0x3FD2] =	sst s25  }
0xa6: {  	s4 =	sshll.u32 s26, $0x1;
	_ =	strace $0x8000004C;
	[dreg:$0x1] =	wrdreg $0xFFFFFFFF  }
0xa7: {  	s28 =	simm.s32 $_size_execute0_lowered;
	s2 =	sadd.s32 s2, s4;
	[dreg:$0x0] =	wrdreg $0x0  }
0xa8: {  	s4 =	sshll.u32 s28, $0x1;
	[dreg:$0x2] =	wrdreg s2  }
0xa9: {  	[dreg:$0x3] =	wrdreg s4  }
0xaa: {  	[dreg:$0x4] =	wrdreg $0xC0  }
0xab: {  	_ =	task [dreg:s6], $0x5FFFF  }
0xac: {  	[dreg:$0x1] =	wrdreg $0xFFFFFFFF  }
0xad: {  	[dreg:$0x0] =	wrdreg $0x60  }
0xae: {  	[dreg:$0x2] =	wrdreg s24  }
0xaf: {  	[dreg:$0x3] =	wrdreg $0x90000  }
0xb0: {  	[dreg:$0x4] =	wrdreg $0x9  }
0xb1: {  	_ =	task.clear_ibuf [dreg:s6], $0x5FFFF;
	_ =	strace $0x9000004C  }
0xb2: {  	s29 =	simm.s32 $0x9;
	_ =	strace $0x8000004E  }
0xb3: {  	_ =	swait.ge [sflag:s29], $0x1  }
0xb4: {  	[sflag:s29] =	ssyncadd.s32 $0xFFFFFFFF  }
0xb5: {  	_ =	strace $0x9000004E  }
0xb6: {  	_ =	sfence  }
0xb7: {  	s30 =	sld [smem:$0x0];
	_ =	sdelay $0x2  }
0xb8: {  	s31 =	sshll.u32 s1, $0xD;
	s1 =	sshrl.u32 s1, $0x2  }
0xb9: {  	s3 =	sand.u32 $0x4000, s31;
	s1 =	sadd.s32 s1, s30  }
0xba: {  	s0 =	sor.u32 s3, s0;
	s1 =	sshll.u32 s1, $0x11  }
0xbb: {  	s0 =	sor.u32 s1, s0  }
0xbc: {  	s0 =	sadd.s32 $0x8F2B, s0  }
0xbd: {  	[sflag:s0] =	ssyncadd.remote.s32 $0x1  }
0xbe: {  	_ =	sfence.sel $0xFFFF  }
0xbf: {  	[dreg:$0x0] =	wrdreg $0xFFFFFFFF;
	(pc) =	sbr.abs _section_cstart, $3  }
0xc0: {  	[dreg:$0x1] =	wrdreg $0xFFFFFFFF  }
0xc1: {  	_ =	task.clear_ibuf [dreg:s6], $0x2FFFF;
	_ =	strace $0x9FFFFFFF  }
0xc2: {  	(tm) =	ssettm $0x7FFFFFFF  }
0xc3: {  	_ =	shalt  }
tec
execute0_lowered:
.L_overlay_start_1:
0x0: {  	(tag) =	ssettag $0x1  }
0x1: {  	s0 =	srdreg.scid;
	s6 =	rddreg [dreg:$0x0]  }
0x2: {  	s4 =	stileid.u32;
	s2 =	rddreg [dreg:$0x1];
	s3 =	simm.s32 $0x0  }
0x3: {  	s15 =	simm.s32 $0x5000;
	s16 =	simm.s32 $0x5;
	s18 =	simm.s32 $0x80  }
0x4: {  	s19 =	simm.s32 $0x6000;
	s21 =	simm.s32 $0x7000;
	s23 =	simm.s32 $0x8000  }
0x5: {  	s24 =	simm.s32 $0x1;
	s28 =	simm.s32 $0x4;
	s29 =	simm.s32 $0x4E00  }
0x6: {  	s30 =	simm.s32 $0x4E80;
	s31 =	simm.s32 $0x4F00;
	s0 =	sand.u32 $0x1, s0  }
0x7: {  	s1 =	sshll.u32 s4, $0x1;
	s7 =	smul.u32 $0xA00, s4;
	[smem:$0x7FF] =	sst s3  }
0x8: {  	s9 =	smul.u32 $0x14000, s4;
	s4 =	sadd.s32 $0xD000, s6;
	s5 =	sadd.s32 $0x17000, s6  }
0x9: {  	s1 =	sor.u32 s0, s1;
	s8 =	smul.u32 $0xA000, s0;
	s0 =	ssub.s32 $0x2, s0  }
0xa: {  	_ =	strace $0x8000004D;
	s1 =	smul.u32 $0x500, s1;
	s26 =	sshrl.u32 s0, $0x1  }
0xb: {  	s25 =	sshrl.u32 s9, $0x2;
	s7 =	sadd.s32 s7, s8;
	s0 =	ssub.s32 s0, s26  }
0xc: {  	s26 =	simm.s32 $0x3;
	s1 =	sadd.s32 s1, s6;
	s13 =	sadd.s32 s7, s6  }
0xd: {  	s6 =	sadd.s32 s25, s2;
	s14 =	smax.u32 s0, $0x1;
	s25 =	simm.s32 $0x2  }
0xe: {  	s0 =	simm.s32 $0x0;
	s7 =	sadd.s32 $0x1000, s6;
	s8 =	sadd.s32 $0x2000, s6  }
0xf: {  	s9 =	sadd.s32 $0x3000, s6;
	s10 =	sadd.s32 $0x4000, s6;
	s11 =	sadd.s32 $0x3E600, s1  }
0x10: {  	s12 =	sadd.s32 $0x3000, s1;
	s13 =	sadd.s32 $0x17200, s13;
	s1 =	simm.s32 $0x4F80  }
.LBB2_1:
0x11: {  	[tilespmem:s15], [sflag:$0x5] =	stream.linear.gather [hbm4b:s5+s3], $0x1000, $0x38;
	[tilespmem:$0xE000] =	vst v63  }
0x12: {  	_ =	swait.ge [sflag:s16], $0x1000  }
0x13: {  	[sflag:s16] =	ssyncset.done $0x0  }
0x14: {  	[sflag:s16] =	ssyncadd.s32 $0xFFFFF000  }
0x15: {  	[spmem:s6] =	stream.linear.scatter [tilespmem:s15], [sflag:$0x5], $0x1000, $0x38;
	[tilespmem:$0xE000] =	vst v63  }
0x16: {  	_ =	swait.ge [sflag:s16], $0x1000  }
0x17: {  	[sflag:s16] =	ssyncset.done $0x0  }
0x18: {  	[sflag:s16] =	ssyncadd.s32 $0xFFFFF000  }
0x19: {  	[spmem:s7] =	stream.linear.scatter [tilespmem:s15], [sflag:$0x5], $0x1000, $0x38;
	[tilespmem:$0xE000] =	vst v63  }
0x1a: {  	_ =	swait.ge [sflag:s16], $0x1000  }
0x1b: {  	[sflag:s16] =	ssyncset.done $0x0  }
0x1c: {  	[sflag:s16] =	ssyncadd.s32 $0xFFFFF000  }
0x1d: {  	[spmem:s8] =	stream.linear.scatter [tilespmem:s15], [sflag:$0x5], $0x1000, $0x38;
	[tilespmem:$0xE000] =	vst v63  }
0x1e: {  	_ =	swait.ge [sflag:s16], $0x1000  }
0x1f: {  	[sflag:s16] =	ssyncset.done $0x0  }
0x20: {  	[sflag:s16] =	ssyncadd.s32 $0xFFFFF000  }
0x21: {  	[spmem:s9] =	stream.linear.scatter [tilespmem:s15], [sflag:$0x5], $0x1000, $0x38;
	[tilespmem:$0xE000] =	vst v63  }
0x22: {  	_ =	swait.ge [sflag:s16], $0x1000  }
0x23: {  	[sflag:s16] =	ssyncset.done $0x0  }
0x24: {  	[sflag:s16] =	ssyncadd.s32 $0xFFFFF000  }
0x25: {  	[spmem:s10] =	stream.linear.scatter [tilespmem:s15], [sflag:$0x5], $0x1000, $0x38;
	[tilespmem:$0xE000] =	vst v63  }
0x26: {  	_ =	swait.ge [sflag:s16], $0x1000  }
0x27: {  	[sflag:s16] =	ssyncset.done $0x0  }
0x28: {  	[sflag:s16] =	ssyncadd.s32 $0xFFFFF000  }
0x29: {  	[tilespmem:s3], [sflag:$0x5] =	stream.linear.gather [hbm4b:s11+s3], $0x2800, $0x38;
	[tilespmem:$0xE000] =	vst v63  }
0x2a: {  	_ =	swait.ge [sflag:s16], $0x2800  }
0x2b: {  	[sflag:s16] =	ssyncset.done $0x0  }
0x2c: {  	s17 =	simm.s32 $0x2800;
	[sflag:s16] =	ssyncadd.s32 $0xFFFFD800  }
0x2d: {  	[tilespmem:s17], [sflag:$0x5] =	stream.linear.gather [hbm4b:s12+s3], $0x2800, $0x38;
	[tilespmem:$0xE000] =	vst v63  }
0x2e: {  	_ =	swait.ge [sflag:s16], $0x2800  }
0x2f: {  	[sflag:s16] =	ssyncset.done $0x0  }
0x30: {  	[sflag:s16] =	ssyncadd.s32 $0xFFFFD800  }
0x31: {  	[bflag:$0x0] =	sbarrier.arrive $0xFFFF  }
0x32: {  	[tilespmem:s15], [sflag:$0x1] =	stream.indirect.gather [hbm4b:s4+s18], $0x20, s3, s18, $0xb8;
	[tilespmem:$0xE000] =	vst v63  }
0x33: {  	_ = 	snop  }
0x34: {  	[tilespmem:s19], [sflag:$0x2] =	stream.indirect.gather [hbm4b:s4+s18], $0x20, s18, s18, $0xb8;
	[tilespmem:$0xE000] =	vst v63  }
0x35: {  	s22 =	simm.s32 $0x100  }
0x36: {  	[tilespmem:s21], [sflag:$0x3] =	stream.indirect.gather [hbm4b:s4+s18], $0x20, s22, s18, $0xb8;
	[tilespmem:$0xE000] =	vst v63  }
0x37: {  	s20 =	simm.s32 $0x180  }
0x38: {  	[tilespmem:s23], [sflag:$0x4] =	stream.indirect.gather [hbm4b:s4+s18], $0x20, s20, s18, $0xb8;
	[tilespmem:$0xE000] =	vst v63  }
0x39: {  	_ =	swait.ge [sflag:s24], $0x1000  }
0x3a: {  	[sflag:s24] =	ssyncset.done $0x0  }
0x3b: {  	s22 =	simm.s32 $0x2800;
	[sflag:s24] =	ssyncadd.s32 $0xFFFFF000  }
0x3c: {  	[spmem:s2] =	stream.indirect.scatter.add.f32 [tilespmem:s15], [sflag:$0x5], $0x20, s22, s18, $0xb8;
	[tilespmem:$0xE000] =	vst v63  }
0x3d: {  	_ =	swait.ge [sflag:s16], $0x1000  }
0x3e: {  	[sflag:s16] =	ssyncset.done $0x0  }
0x3f: {  	s20 =	simm.s32 $0x200;
	[sflag:s16] =	ssyncadd.s32 $0xFFFFF000  }
0x40: {  	[tilespmem:s15], [sflag:$0x1] =	stream.indirect.gather [hbm4b:s4+s18], $0x20, s20, s18, $0xb8;
	[tilespmem:$0xE000] =	vst v63  }
0x41: {  	_ =	swait.ge [sflag:s25], $0x1000  }
0x42: {  	[sflag:s25] =	ssyncset.done $0x0  }
0x43: {  	s22 =	simm.s32 $0x2880;
	[sflag:s25] =	ssyncadd.s32 $0xFFFFF000  }
0x44: {  	[spmem:s2] =	stream.indirect.scatter.add.f32 [tilespmem:s19], [sflag:$0x5], $0x20, s22, s18, $0xb8;
	[tilespmem:$0xE000] =	vst v63  }
0x45: {  	_ =	swait.ge [sflag:s16], $0x1000  }
0x46: {  	[sflag:s16] =	ssyncset.done $0x0  }
0x47: {  	s20 =	simm.s32 $0x280;
	[sflag:s16] =	ssyncadd.s32 $0xFFFFF000  }
0x48: {  	[tilespmem:s19], [sflag:$0x2] =	stream.indirect.gather [hbm4b:s4+s18], $0x20, s20, s18, $0xb8;
	[tilespmem:$0xE000] =	vst v63  }
0x49: {  	_ =	swait.ge [sflag:s26], $0x1000  }
0x4a: {  	[sflag:s26] =	ssyncset.done $0x0  }
0x4b: {  	s22 =	simm.s32 $0x2900;
	[sflag:s26] =	ssyncadd.s32 $0xFFFFF000  }
0x4c: {  	[spmem:s2] =	stream.indirect.scatter.add.f32 [tilespmem:s21], [sflag:$0x5], $0x20, s22, s18, $0xb8;
	[tilespmem:$0xE000] =	vst v63  }
0x4d: {  	_ =	swait.ge [sflag:s16], $0x1000  }
0x4e: {  	[sflag:s16] =	ssyncset.done $0x0  }
0x4f: {  	s20 =	simm.s32 $0x300;
	[sflag:s16] =	ssyncadd.s32 $0xFFFFF000  }
0x50: {  	[tilespmem:s21], [sflag:$0x3] =	stream.indirect.gather [hbm4b:s4+s18], $0x20, s20, s18, $0xb8;
	[tilespmem:$0xE000] =	vst v63  }
0x51: {  	_ =	swait.ge [sflag:s28], $0x1000  }
0x52: {  	[sflag:s28] =	ssyncset.done $0x0  }
0x53: {  	s22 =	simm.s32 $0x2980;
	[sflag:s28] =	ssyncadd.s32 $0xFFFFF000  }
0x54: {  	[spmem:s2] =	stream.indirect.scatter.add.f32 [tilespmem:s23], [sflag:$0x5], $0x20, s22, s18, $0xb8;
	[tilespmem:$0xE000] =	vst v63  }
0x55: {  	_ =	swait.ge [sflag:s16], $0x1000  }
0x56: {  	[sflag:s16] =	ssyncset.done $0x0  }
0x57: {  	s17 =	simm.s32 $0x800;
	s20 =	simm.s32 $0x380;
	[sflag:s16] =	ssyncadd.s32 $0xFFFFF000  }
.LBB2_2:
0x58: {  	[tilespmem:s23], [sflag:$0x4] =	stream.indirect.gather [hbm4b:s4+s18], $0x20, s20, s18, $0xb8;
	[tilespmem:$0xE000] =	vst v63  }
0x59: {  	s20 =	smov.u32 s17  }
0x5a: {  	p0 =	sne.s32 s17, $0x9000;
	s17 =	sadd.s32 $0x800, s17;
	_ =	swait.ge [sflag:s24], $0x1000  }
0x5b: {  	s20 =	sshra.s32 s20, $0x2;
	[sflag:s24] =	ssyncset.done $0x0  }
0x5c: {  	s22 =	sadd.s32 $0x2800, s20;
	[sflag:s24] =	ssyncadd.s32 $0xFFFFF000  }
0x5d: {  	[spmem:s2] =	stream.indirect.scatter.add.f32 [tilespmem:s15], [sflag:$0x5], $0x20, s22, s18, $0xb8;
	[tilespmem:$0xE000] =	vst v63  }
0x5e: {  	_ =	swait.ge [sflag:s16], $0x1000  }
0x5f: {  	[sflag:s16] =	ssyncset.done $0x0  }
0x60: {  	s22 =	sadd.s32 $0x200, s20;
	[sflag:s16] =	ssyncadd.s32 $0xFFFFF000  }
0x61: {  	[tilespmem:s15], [sflag:$0x1] =	stream.indirect.gather [hbm4b:s4+s18], $0x20, s22, s18, $0xb8;
	[tilespmem:$0xE000] =	vst v63  }
0x62: {  	_ =	swait.ge [sflag:s25], $0x1000  }
0x63: {  	[sflag:s25] =	ssyncset.done $0x0  }
0x64: {  	s22 =	sadd.s32 $0x2880, s20;
	[sflag:s25] =	ssyncadd.s32 $0xFFFFF000  }
0x65: {  	[spmem:s2] =	stream.indirect.scatter.add.f32 [tilespmem:s19], [sflag:$0x5], $0x20, s22, s18, $0xb8;
	[tilespmem:$0xE000] =	vst v63  }
0x66: {  	_ =	swait.ge [sflag:s16], $0x1000  }
0x67: {  	[sflag:s16] =	ssyncset.done $0x0  }
0x68: {  	s22 =	sadd.s32 $0x280, s20;
	[sflag:s16] =	ssyncadd.s32 $0xFFFFF000  }
0x69: {  	[tilespmem:s19], [sflag:$0x2] =	stream.indirect.gather [hbm4b:s4+s18], $0x20, s22, s18, $0xb8;
	[tilespmem:$0xE000] =	vst v63  }
0x6a: {  	_ =	swait.ge [sflag:s26], $0x1000  }
0x6b: {  	[sflag:s26] =	ssyncset.done $0x0  }
0x6c: {  	s22 =	sadd.s32 $0x2900, s20;
	[sflag:s26] =	ssyncadd.s32 $0xFFFFF000  }
0x6d: {  	[spmem:s2] =	stream.indirect.scatter.add.f32 [tilespmem:s21], [sflag:$0x5], $0x20, s22, s18, $0xb8;
	[tilespmem:$0xE000] =	vst v63  }
0x6e: {  	_ =	swait.ge [sflag:s16], $0x1000  }
0x6f: {  	[sflag:s16] =	ssyncset.done $0x0  }
0x70: {  	s22 =	sadd.s32 $0x300, s20;
	[sflag:s16] =	ssyncadd.s32 $0xFFFFF000  }
0x71: {  	[tilespmem:s21], [sflag:$0x3] =	stream.indirect.gather [hbm4b:s4+s18], $0x20, s22, s18, $0xb8;
	[tilespmem:$0xE000] =	vst v63  }
0x72: {  	_ =	swait.ge [sflag:s28], $0x1000  }
0x73: {  	[sflag:s28] =	ssyncset.done $0x0  }
.Ltmp0:
0x74: {  	s22 =	sadd.s32 $0x2980, s20;
	[sflag:s28] =	ssyncadd.s32 $0xFFFFF000;
	(pc) =	sbr.rel @p0 .LBB2_2-.Ltmp0, $4  }
0x75: {  	[spmem:s2] =	stream.indirect.scatter.add.f32 [tilespmem:s23], [sflag:$0x5], $0x20, s22, s18, $0xb8;
	[tilespmem:$0xE000] =	vst v63  }
0x76: {  	_ =	swait.ge [sflag:s16], $0x1000  }
0x77: {  	[sflag:s16] =	ssyncset.done $0x0  }
0x78: {  	s20 =	sadd.s32 $0x380, s20;
	[sflag:s16] =	ssyncadd.s32 $0xFFFFF000  }
0x79: {  	[tilespmem:s23], [sflag:$0x4] =	stream.indirect.gather [hbm4b:s4+s18], $0x20, s20, s18, $0xb8;
	[tilespmem:$0xE000] =	vst v63  }
0x7a: {  	_ =	swait.ge [sflag:s24], $0x1000  }
0x7b: {  	[sflag:s24] =	ssyncset.done $0x0  }
0x7c: {  	[sflag:s24] =	ssyncadd.s32 $0xFFFFF000  }
0x7d: {  	[spmem:s2] =	stream.indirect.scatter.add.f32 [tilespmem:s15], [sflag:$0x5], $0x20, s29, s18, $0xb8;
	[tilespmem:$0xE000] =	vst v63  }
0x7e: {  	_ =	swait.ge [sflag:s16], $0x1000  }
0x7f: {  	[sflag:s16] =	ssyncset.done $0x0  }
0x80: {  	[sflag:s16] =	ssyncadd.s32 $0xFFFFF000  }
0x81: {  	_ =	swait.ge [sflag:s25], $0x1000  }
0x82: {  	[sflag:s25] =	ssyncset.done $0x0  }
0x83: {  	[sflag:s25] =	ssyncadd.s32 $0xFFFFF000  }
0x84: {  	[spmem:s2] =	stream.indirect.scatter.add.f32 [tilespmem:s19], [sflag:$0x5], $0x20, s30, s18, $0xb8;
	[tilespmem:$0xE000] =	vst v63  }
0x85: {  	_ =	swait.ge [sflag:s16], $0x1000  }
0x86: {  	[sflag:s16] =	ssyncset.done $0x0  }
0x87: {  	[sflag:s16] =	ssyncadd.s32 $0xFFFFF000  }
0x88: {  	_ =	swait.ge [sflag:s26], $0x1000  }
0x89: {  	[sflag:s26] =	ssyncset.done $0x0  }
0x8a: {  	[sflag:s26] =	ssyncadd.s32 $0xFFFFF000  }
0x8b: {  	[spmem:s2] =	stream.indirect.scatter.add.f32 [tilespmem:s21], [sflag:$0x5], $0x20, s31, s18, $0xb8;
	[tilespmem:$0xE000] =	vst v63  }
0x8c: {  	_ =	swait.ge [sflag:s16], $0x1000  }
0x8d: {  	[sflag:s16] =	ssyncset.done $0x0  }
0x8e: {  	[sflag:s16] =	ssyncadd.s32 $0xFFFFF000  }
0x8f: {  	_ =	swait.ge [sflag:s28], $0x1000  }
0x90: {  	[sflag:s28] =	ssyncset.done $0x0  }
0x91: {  	[sflag:s28] =	ssyncadd.s32 $0xFFFFF000  }
0x92: {  	[spmem:s2] =	stream.indirect.scatter.add.f32 [tilespmem:s23], [sflag:$0x5], $0x20, s1, s18, $0xb8;
	[tilespmem:$0xE000] =	vst v63  }
0x93: {  	s17 =	stileid.u32;
	_ =	swait.ge [sflag:s16], $0x1000  }
0x94: {  	s22 =	sshrl.u32 s6, $0x3;
	s0 =	sadd.s32 $0x1, s0;
	[sflag:s16] =	ssyncset.done $0x0  }
0x95: {  	s17 =	sshll.u32 s17, $0x6;
	p0 =	sne.s32 s0, s14;
	[sflag:s16] =	ssyncadd.s32 $0xFFFFF000  }
.Ltmp1:
0x96: {  	s17 =	sor.u32 $0x1C05, s17;
	[bflag:$0x0] =	sbarrier.arrive $0xFFFF;
	(pc) =	sbr.rel @p0 .LBB2_1-.Ltmp1, $4  }
0x97: {  	[hbm:s13], [sflag:s17] =	dma.local [spmem:s22], $0xA00  }
0x98: {  	_ =	swait.ge [sflag:s16], $0xA00  }
0x99: {  	[sflag:s16] =	ssyncset.done $0x0  }
0x9a: {  	[sflag:s16] =	ssyncadd.s32 $0xFFFFF600  }
0x9b: {  	_ =	sfence.sel $0x180000  }
0x9c: {  	[bflag:$0x0] =	sbarrier.arrive $0xFFFF  }
0x9d: {  	_ =	strace $0x9000004D  }
0x9e: {  	s0 =	stileid.u32;
	[bflag:$0x2] =	sbarrier.arrive $0xFFFF  }
0x9f: {  	p0 =	sne.s32 s0, $0x0;
	s0 =	rddreg [dreg:$0x2]  }
0xa0: {  	s0 =	sadd.s32 @!p0 $0x100000, s0  }
0xa1: {  	[sflag:s0] =	ssyncadd.tile.s32 @!p0 $0x1;
	_ =	shalt  }
.Lfunc_end2:
_tile_overlayer_lowered:
.L_overlay_start_2:
0xa2: {  	(tag) =	ssettag $0x2  }
0xa3: {  	s0 =	rddreg [dreg:$0x0];
	s2 =	stileid.u32  }
0xa4: {  	s1 =	rddreg [dreg:$0x1];
	p0 =	sne.s32 s2, $0x0  }
0xa5: {  	s3 =	rddreg [dreg:$0x2];
	[bflag:$0x3] =	sbarrier.arrive $0xFFFF;
	s2 =	simm.s32 @!p0 $0x1C05  }
0xa6: {  	[timem:s3], [sflag:s2] =	dma.local @!p0 [hbm:s0], s1  }
0xa7: {  	s0 =	simm.s32 @!p0 $0x5  }
0xa8: {  	_ =	swait.ge @!p0 [sflag:s0], s1  }
0xa9: {  	s1 =	ssub.s32 @!p0 $0x0, s1;
	[sflag:s0] =	ssyncset.done @!p0 $0x0  }
0xaa: {  	[sflag:s0] =	ssyncadd.s32 @!p0 s1  }
0xab: {  	[bflag:$0x3] =	sbarrier.arrive $0xFFFF  }
0xac: {  	_ =	shalt  }

// kernel: kernel.9.cloned.1.call-start
scs
__scs_entry_jumppad:
0x0: {  	(pc) =	sbr.rel $0x88, $3  }
0x1: {  	(tag) =	ssettag $0x0;
	lr =	simm.s32 $0x1  }
0x2: {  	[smem:$0x3F92] =	sst lr;
	_ =	strace $0xD0000000  }
0x3: {  	_ = 	snop  }
0x4: {  	_ = 	snop  }
0x5: {  	_ = 	snop  }
0x6: {  	_ = 	snop  }
0x7: {  	_ = 	snop  }
__scs_overlays_trampoline_lowered:
0x8: {  	[smem:$0x3FA1] =	sst s0  }
0x9: {  	[smem:$0x3FA2] =	sst s1  }
0xa: {  	[smem:$0x3FA3] =	sst s2  }
0xb: {  	[smem:$0x3FA4] =	sst s3  }
0xc: {  	[smem:$0x3FA5] =	sst s4  }
0xd: {  	[smem:$0x3FA6] =	sst s5  }
0xe: {  	[smem:$0x3FA7] =	sst s6  }
0xf: {  	[smem:$0x3FA8] =	sst s7  }
0x10: {  	[smem:$0x3FA9] =	sst s8  }
0x11: {  	[smem:$0x3FAA] =	sst s9;
	s0 =	simm.s32 @!p0 $0x0  }
0x12: {  	s1 =	sld [smem:$0x3F90];
	s0 =	simm.s32 @p0 $0x1  }
0x13: {  	[smem:$0x3FAB] =	sst s0;
	s0 =	simm.s32 @!p1 $0x0  }
0x14: {  	s2 =	sld [smem:$0x3F8F];
	s0 =	simm.s32 @p1 $0x1  }
0x15: {  	[smem:$0x3FAC] =	sst s0;
	s0 =	simm.s32 @!p2 $0x0  }
0x16: {  	s3 =	sld [smem:$0x3FDB];
	s0 =	simm.s32 @p2 $0x1  }
0x17: {  	s4 =	simm.s32 $0x1BF5;
	[smem:$0x3FAE] =	sst s0  }
0x18: {  	s0 =	sld [smem:$0x3F91];
	_ =	swait.ge [sflag:s4], $0x0  }
0x19: {  	s7 =	sld [smem:$0x3F92]  }
0x1a: {  	s8 =	sadd.s32 $0xFFFFE003, lr  }
0x1b: {  	s9 =	sadd.s32 $0xFFFFFEF7, lr;
	s5 =	simm.s32 $0xFFFFFFFF;
	p2 =	slt.u32 s8, $0xFFFFF086  }
0x1c: {  	p1 =	slt.u32 s9, $0xF7A;
	s5 =	simm.s32 @!p2 $0x0  }
0x1d: {  	s5 =	simm.s32 @p1 $0x1;
	p0 =	seq.s32 s7, s2  }
0x1e: {  	s7 =	smul.u32 @!p0 $0xF7A, s2;
	p2 =	seq.s32 @!p0 s5, $0x0  }
0x1f: {  	s9 =	smul.u32 $0xF7A, s1;
	s8 =	simm.s32 @!p0 $0x1BF5;
	p2 =	por !p2, p0  }
0x20: {  	[sflag:s8] =	ssyncset.s32 @!p0 $0xFFFFF086;
	s6 =	sadd.s32 @!p0 s3, s7;
	s7 =	simm.s32 @!p0 $0x108  }
0x21: {  	s3 =	sadd.s32 s3, s9;
	s6 =	sadd.s32 @!p0 $0x88, s6;
	s7 =	simm.s32 @p2 $0x1082  }
0x22: {  	[simem:s7], [sflag:s8] =	dma.local @!p0 [hbm:s6], $0xF7A  }
0x23: {  	s9 =	sor.u32 $0xD0000000, s2;
	s6 =	simm.s32 $0x108;
	_ =	swait.ge @!p0 [sflag:s8], $0x0  }
0x24: {  	s3 =	sadd.s32 $0x88, s3;
	s6 =	simm.s32 @!p1 $0x1082;
	[sflag:s4] =	ssyncset.s32 $0xFFFFF086  }
0x25: {  	[simem:s6], [sflag:s4] =	dma.local [hbm:s3], $0xF7A  }
0x26: {  	[smem:$0x3F92] =	sst s1;
	(tag) =	ssettag s2;
	_ =	strace s9  }
0x27: {  	s1 =	sld [smem:$0x3FA2]  }
0x28: {  	s2 =	sld [smem:$0x3FA3]  }
0x29: {  	s4 =	sld [smem:$0x3FA5]  }
0x2a: {  	p0 =	seq.s32 s5, $0x0;
	s5 =	sld [smem:$0x3FA6]  }
0x2b: {  	s6 =	sld [smem:$0x3FA7]  }
0x2c: {  	s7 =	sld [smem:$0x3FA8]  }
0x2d: {  	s3 =	simm.s32 $0x108;
	s8 =	sld [smem:$0x3FA9]  }
0x2e: {  	s3 =	simm.s32 @!p0 $0x1082;
	s9 =	sld [smem:$0x3FAA]  }
0x2f: {  	lr =	sadd.s32 s0, s3;
	s0 =	sld [smem:$0x3FA1]  }
0x30: {  	s3 =	sld [smem:$0x3FA4]  }
0x31: {  	[smem:$0x3FAD] =	sst s10  }
0x32: {  	s10 =	sld [smem:$0x3FAB];
	_ =	sdelay $0x3  }
0x33: {  	p0 =	seq.s32 s10, $0x1;
	s10 =	sld [smem:$0x3FAD];
	_ =	sdelay $0x3  }
0x34: {  	[smem:$0x3FAD] =	sst s10  }
0x35: {  	s10 =	sld [smem:$0x3FAC];
	_ =	sdelay $0x3  }
0x36: {  	p1 =	seq.s32 s10, $0x1;
	s10 =	sld [smem:$0x3FAD];
	_ =	sdelay $0x3  }
0x37: {  	[smem:$0x3FAD] =	sst s10  }
0x38: {  	s10 =	sld [smem:$0x3FAE]  }
0x39: {  	_ = 	snop;
	(pc) =	sbr.ind lr, $3  }
0x3a: {  	_ = 	snop  }
0x3b: {  	_ = 	snop  }
0x3c: {  	p2 =	seq.s32 s10, $0x1;
	s10 =	sld [smem:$0x3FAD]  }
0x3d: {  	_ =	shalt  }
0x3e: {  	_ =	shalt  }
0x3f: {  	_ =	shalt  }
0x40: {  	_ =	shalt  }
0x41: {  	_ =	shalt  }
0x42: {  	_ =	shalt  }
0x43: {  	_ =	shalt  }
0x44: {  	_ =	shalt  }
0x45: {  	_ =	shalt  }
0x46: {  	_ =	shalt  }
0x47: {  	_ =	shalt  }
0x48: {  	_ =	shalt  }
0x49: {  	_ =	shalt  }
0x4a: {  	_ =	shalt  }
0x4b: {  	_ =	shalt  }
0x4c: {  	_ =	shalt  }
0x4d: {  	_ =	shalt  }
0x4e: {  	_ =	shalt  }
0x4f: {  	_ =	shalt  }
0x50: {  	_ =	shalt  }
0x51: {  	_ =	shalt  }
0x52: {  	_ =	shalt  }
0x53: {  	_ =	shalt  }
0x54: {  	_ =	shalt  }
0x55: {  	_ =	shalt  }
0x56: {  	_ =	shalt  }
0x57: {  	_ =	shalt  }
0x58: {  	_ =	shalt  }
0x59: {  	_ =	shalt  }
0x5a: {  	_ =	shalt  }
0x5b: {  	_ =	shalt  }
0x5c: {  	_ =	shalt  }
0x5d: {  	_ =	shalt  }
0x5e: {  	_ =	shalt  }
0x5f: {  	_ =	shalt  }
0x60: {  	_ =	shalt  }
0x61: {  	_ =	shalt  }
0x62: {  	_ =	shalt  }
0x63: {  	_ =	shalt  }
0x64: {  	_ =	shalt  }
0x65: {  	_ =	shalt  }
0x66: {  	_ =	shalt  }
0x67: {  	_ =	shalt  }
0x68: {  	_ =	shalt  }
0x69: {  	_ =	shalt  }
0x6a: {  	_ =	shalt  }
0x6b: {  	_ =	shalt  }
0x6c: {  	_ =	shalt  }
0x6d: {  	_ =	shalt  }
0x6e: {  	_ =	shalt  }
0x6f: {  	_ =	shalt  }
0x70: {  	_ =	shalt  }
0x71: {  	_ =	shalt  }
0x72: {  	_ =	shalt  }
0x73: {  	_ =	shalt  }
0x74: {  	_ =	shalt  }
0x75: {  	_ =	shalt  }
0x76: {  	_ =	shalt  }
0x77: {  	_ =	shalt  }
0x78: {  	_ =	shalt  }
0x79: {  	_ =	shalt  }
0x7a: {  	_ =	shalt  }
0x7b: {  	_ =	shalt  }
0x7c: {  	_ =	shalt  }
0x7d: {  	_ =	shalt  }
0x7e: {  	_ =	shalt  }
0x7f: {  	_ =	shalt  }
0x80: {  	_ =	shalt  }
0x81: {  	_ =	shalt  }
0x82: {  	_ =	shalt  }
0x83: {  	_ =	shalt  }
0x84: {  	_ =	shalt  }
0x85: {  	_ =	shalt  }
0x86: {  	_ =	shalt  }
0x87: {  	_ =	shalt  }
.Lfunc_end0:
.L_simem_size_0:
called_computation_lowered:
.L_overlay_start_0:
0x88: {  	s2 =	sld [smem:$0x3FD9]  }
0x89: {  	s3 =	sld [smem:$0x3FFE];
	_ =	sdelay $0x1  }
0x8a: {  	s1 =	srdreg.scid  }
0x8b: {  	s0 =	sand.u32 $0x1, s1  }
0x8c: {  	s16 =	sshll.u32 s0, $0xA;
	s2 =	sadd.s32 s3, s2  }
0x8d: {  	s2 =	sadd.s32 s2, s16  }
0x8e: {  	[smem:$0x3FB9] =	sst s2  }
0x8f: {  	_ = 	snop  }
0x90: {  	(tm) =	ssettm $0x1  }
0x91: {  	s17 =	sld [smem:$0x3FFB];
	_ =	sdelay $0x3  }
0x92: {  	_ =	strace s17  }
0x93: {  	s2 =	sld [smem:$0x3FFC];
	_ =	sdelay $0x3  }
0x94: {  	_ =	strace s2  }
0x95: {  	s2 =	sld [smem:$0x3FFD];
	_ =	sdelay $0x3  }
0x96: {  	_ =	strace s2  }
0x97: {  	_ =	strace $0x8FFFFFFF  }
0x98: {  	s18 =	sld [smem:$0x3FDB];
	_ =	sdelay $0x1  }
0x99: {  	s19 =	simm.s32 $_scs_section_size  }
0x9a: {  	s4 =	simm.s32 $_size__tile_overlayer_lowered;
	s5 =	simm.s32 $_tile_overlayer_lowered  }
0x9b: {  	s22 =	simm.s32 $0x1BFF;
	s21 =	sshll.u32 s5, $0x1;
	s2 =	sadd.s32 s19, s18  }
0x9c: {  	s6 =	simm.s32 $0x0;
	s20 =	sshll.u32 s4, $0x1;
	s4 =	sadd.s32 s21, s2  }
0x9d: {  	[timem:s6], [sflag:s22] =	dma.local [hbm:s4], s20  }
0x9e: {  	_ =	swait.ge [sflag:s22], s20  }
0x9f: {  	s3 =	ssub.s32 $0x0, s20;
	[sflag:s22] =	ssyncset.done $0x0  }
0xa0: {  	[sflag:s22] =	ssyncadd.s32 s3;
	_ =	sdelay $0x1  }
0xa1: {  	s23 =	simm.s32 $0x1B8B  }
0xa2: {  	_ =	swait.ge [sflag:s23], $0x1  }
0xa3: {  	[sflag:s23] =	ssyncset.done $0x0  }
0xa4: {  	s25 =	simm.s32 $0x1B8E;
	s24 =	sld [smem:$0x3FFE];
	[sflag:s23] =	ssyncadd.s32 $0xFFFFFFFF  }
0xa5: {  	s26 =	simm.s32 $execute0_lowered;
	[smem:$0x3FD2] =	sst s25  }
0xa6: {  	s4 =	sshll.u32 s26, $0x1;
	_ =	strace $0x80000046;
	[dreg:$0x1] =	wrdreg $0xFFFFFFFF  }
0xa7: {  	s28 =	simm.s32 $_size_execute0_lowered;
	s2 =	sadd.s32 s2, s4;
	[dreg:$0x0] =	wrdreg $0x0  }
0xa8: {  	s4 =	sshll.u32 s28, $0x1;
	[dreg:$0x2] =	wrdreg s2  }
0xa9: {  	[dreg:$0x3] =	wrdreg s4  }
0xaa: {  	[dreg:$0x4] =	wrdreg $0xC0  }
0xab: {  	_ =	task [dreg:s6], $0x5FFFF  }
0xac: {  	[dreg:$0x1] =	wrdreg $0xFFFFFFFF  }
0xad: {  	[dreg:$0x0] =	wrdreg $0x60  }
0xae: {  	[dreg:$0x2] =	wrdreg s24  }
0xaf: {  	[dreg:$0x3] =	wrdreg $0x38000  }
0xb0: {  	[dreg:$0x4] =	wrdreg $0x9  }
0xb1: {  	_ =	task.clear_ibuf [dreg:s6], $0x5FFFF;
	_ =	strace $0x90000046  }
0xb2: {  	s29 =	simm.s32 $0x9;
	_ =	strace $0x80000048  }
0xb3: {  	_ =	swait.ge [sflag:s29], $0x1  }
0xb4: {  	[sflag:s29] =	ssyncadd.s32 $0xFFFFFFFF  }
0xb5: {  	_ =	strace $0x90000048  }
0xb6: {  	_ =	sfence  }
0xb7: {  	s30 =	sld [smem:$0x0];
	_ =	sdelay $0x2  }
0xb8: {  	s31 =	sshll.u32 s1, $0xD;
	s1 =	sshrl.u32 s1, $0x2  }
0xb9: {  	s3 =	sand.u32 $0x4000, s31;
	s1 =	sadd.s32 s1, s30  }
0xba: {  	s0 =	sor.u32 s3, s0;
	s1 =	sshll.u32 s1, $0x11  }
0xbb: {  	s0 =	sor.u32 s1, s0  }
0xbc: {  	s0 =	sadd.s32 $0x8F2B, s0  }
0xbd: {  	[sflag:s0] =	ssyncadd.remote.s32 $0x1  }
0xbe: {  	_ =	sfence.sel $0xFFFF  }
0xbf: {  	[dreg:$0x0] =	wrdreg $0xFFFFFFFF;
	(pc) =	sbr.abs _section_cstart, $3  }
0xc0: {  	[dreg:$0x1] =	wrdreg $0xFFFFFFFF  }
0xc1: {  	_ =	task.clear_ibuf [dreg:s6], $0x2FFFF;
	_ =	strace $0x9FFFFFFF  }
0xc2: {  	(tm) =	ssettm $0x7FFFFFFF  }
0xc3: {  	_ =	shalt  }
tec
execute0_lowered:
.L_overlay_start_1:
0x0: {  	(tag) =	ssettag $0x1  }
0x1: {  	s1 =	srdreg.scid;
	s7 =	rddreg [dreg:$0x0]  }
0x2: {  	s0 =	stileid.u32;
	s2 =	rddreg [dreg:$0x1]  }
0x3: {  	s3 =	simm.s32 $0x0;
	s14 =	simm.s32 $0x2800;
	s15 =	simm.s32 $0x1  }
0x4: {  	s16 =	simm.s32 $0x3000;
	s17 =	simm.s32 $0x80;
	s20 =	simm.s32 $0x0  }
0x5: {  	s6 =	sand.u32 $0x1, s1;
	s30 =	sshll.u32 s0, $0x1;
	s8 =	smul.u32 $0x500, s0  }
0x6: {  	[smem:$0x7FF] =	sst s3;
	s10 =	smul.u32 $0xA000, s0;
	s5 =	sadd.s32 $0xD000, s7  }
0x7: {  	s18 =	sshll.u32 s0, $0x6;
	s1 =	sor.u32 s6, s30;
	s9 =	smul.u32 $0x5000, s6  }
0x8: {  	s6 =	ssub.s32 $0x2, s6;
	s18 =	sor.u32 $0x1C01, s18;
	s4 =	smul.u32 $0x500, s1  }
0x9: {  	s1 =	rddreg [dreg:$0x2];
	_ =	strace $0x80000047;
	s31 =	sshrl.u32 s6, $0x1  }
0xa: {  	s10 =	sshrl.u32 s10, $0x2;
	s8 =	sadd.s32 s8, s9;
	s13 =	ssub.s32 s6, s31  }
0xb: {  	s6 =	sadd.s32 s10, s2;
	s11 =	sadd.s32 s4, s7;
	s4 =	sadd.s32 $0xD200, s7  }
0xc: {  	s12 =	sadd.s32 s8, s7;
	s7 =	sadd.s32 $0x800, s6;
	s8 =	sadd.s32 $0x1000, s6  }
0xd: {  	s9 =	sadd.s32 $0x1800, s6;
	s10 =	sadd.s32 $0x2000, s6;
	s13 =	smax.u32 s13, $0x1  }
0xe: {  	s19 =	sshrl.u32 s6, $0x3;
	s11 =	sadd.s32 $0x3000, s11;
	s12 =	sadd.s32 $0xD400, s12  }
.LBB2_1:
0xf: {  	[tilespmem:s14], [sflag:$0x1] =	stream.linear.gather [hbm4b:s4+s3], $0x800, $0x38;
	[tilespmem:$0x6000] =	vst v63  }
0x10: {  	_ =	swait.ge [sflag:s15], $0x800  }
0x11: {  	[sflag:s15] =	ssyncset.done $0x0  }
0x12: {  	[sflag:s15] =	ssyncadd.s32 $0xFFFFF800  }
0x13: {  	[tilespmem:s16], [sflag:$0x1] =	stream.linear.gather [hbm4b:s5+s3], $0x800, $0x38;
	[tilespmem:$0x6000] =	vst v63  }
0x14: {  	_ =	swait.ge [sflag:s15], $0x800  }
0x15: {  	[sflag:s15] =	ssyncset.done $0x0  }
0x16: {  	[sflag:s15] =	ssyncadd.s32 $0xFFFFF800  }
0x17: {  	[spmem:s6] =	stream.linear.scatter [tilespmem:s16], [sflag:$0x1], $0x800, $0x38;
	[tilespmem:$0x6000] =	vst v63  }
0x18: {  	_ =	swait.ge [sflag:s15], $0x800  }
0x19: {  	[sflag:s15] =	ssyncset.done $0x0  }
0x1a: {  	[sflag:s15] =	ssyncadd.s32 $0xFFFFF800  }
0x1b: {  	[spmem:s7] =	stream.linear.scatter [tilespmem:s16], [sflag:$0x1], $0x800, $0x38;
	[tilespmem:$0x6000] =	vst v63  }
0x1c: {  	_ =	swait.ge [sflag:s15], $0x800  }
0x1d: {  	[sflag:s15] =	ssyncset.done $0x0  }
0x1e: {  	[sflag:s15] =	ssyncadd.s32 $0xFFFFF800  }
0x1f: {  	[spmem:s8] =	stream.linear.scatter [tilespmem:s16], [sflag:$0x1], $0x800, $0x38;
	[tilespmem:$0x6000] =	vst v63  }
0x20: {  	_ =	swait.ge [sflag:s15], $0x800  }
0x21: {  	[sflag:s15] =	ssyncset.done $0x0  }
0x22: {  	[sflag:s15] =	ssyncadd.s32 $0xFFFFF800  }
0x23: {  	[spmem:s9] =	stream.linear.scatter [tilespmem:s16], [sflag:$0x1], $0x800, $0x38;
	[tilespmem:$0x6000] =	vst v63  }
0x24: {  	_ =	swait.ge [sflag:s15], $0x800  }
0x25: {  	[sflag:s15] =	ssyncset.done $0x0  }
0x26: {  	[sflag:s15] =	ssyncadd.s32 $0xFFFFF800  }
0x27: {  	[spmem:s10] =	stream.linear.scatter [tilespmem:s16], [sflag:$0x1], $0x800, $0x38;
	[tilespmem:$0x6000] =	vst v63  }
0x28: {  	_ =	swait.ge [sflag:s15], $0x800  }
0x29: {  	[sflag:s15] =	ssyncset.done $0x0  }
0x2a: {  	[sflag:s15] =	ssyncadd.s32 $0xFFFFF800  }
0x2b: {  	[tilespmem:s3], [sflag:$0x1] =	stream.linear.gather [hbm4b:s11+s3], $0x2800, $0x38;
	[tilespmem:$0x6000] =	vst v63  }
0x2c: {  	_ =	swait.ge [sflag:s15], $0x2800  }
0x2d: {  	[sflag:s15] =	ssyncset.done $0x0  }
0x2e: {  	[sflag:s15] =	ssyncadd.s32 $0xFFFFD800  }
0x2f: {  	s21 =	simm.s32 $0x0;
	[bflag:$0x0] =	sbarrier.arrive $0xFFFF  }
0x30: {  	[spmem:s2] =	stream.indirect.scatter.add.f32 [tilespmem:s14], [sflag:$0x1], $0x10, s21, s17, $0xb8;
	[tilespmem:$0x6000] =	vst v63  }
0x31: {  	_ =	swait.ge [sflag:s15], $0x800  }
0x32: {  	s21 =	simm.s32 $0x200;
	[sflag:s15] =	ssyncset.done $0x0  }
.LBB2_2:
0x33: {  	s22 =	sshra.s32 s21, $0x2;
	[sflag:s15] =	ssyncadd.s32 $0xFFFFF800;
	p0 =	sne.s32 s21, $0x9E00  }
0x34: {  	[spmem:s2] =	stream.indirect.scatter.add.f32 [tilespmem:s14], [sflag:$0x1], $0x10, s22, s17, $0xb8;
	[tilespmem:$0x6000] =	vst v63  }
.Ltmp0:
0x35: {  	_ = 	snop;
	(pc) =	sbr.rel @p0 .LBB2_2-.Ltmp0, $4  }
0x36: {  	_ = 	snop  }
0x37: {  	s21 =	sadd.s32 $0x200, s21  }
0x38: {  	_ =	swait.ge [sflag:s15], $0x800  }
0x39: {  	[sflag:s15] =	ssyncset.done $0x0  }
0x3a: {  	s20 =	sadd.s32 $0x1, s20  }
0x3b: {  	[sflag:s15] =	ssyncadd.s32 $0xFFFFF800;
	p0 =	sne.s32 s20, s13  }
.Ltmp1:
0x3c: {  	[bflag:$0x0] =	sbarrier.arrive $0xFFFF;
	(pc) =	sbr.rel @p0 .LBB2_1-.Ltmp1, $4  }
0x3d: {  	[hbm:s12], [sflag:s18] =	dma.local [spmem:s19], $0x500  }
0x3e: {  	_ =	swait.ge [sflag:s15], $0x500  }
0x3f: {  	[sflag:s15] =	ssyncset.done $0x0  }
0x40: {  	[sflag:s15] =	ssyncadd.s32 $0xFFFFFB00  }
0x41: {  	_ =	sfence.sel $0x180000  }
0x42: {  	[bflag:$0x0] =	sbarrier.arrive $0xFFFF  }
0x43: {  	p0 =	sne.s32 s0, $0x0;
	_ =	strace $0x90000047  }
0x44: {  	s0 =	sadd.s32 @!p0 $0x100000, s1;
	[bflag:$0x2] =	sbarrier.arrive $0xFFFF  }
0x45: {  	[sflag:s0] =	ssyncadd.tile.s32 @!p0 $0x1;
	_ =	shalt  }
.Lfunc_end2:
_tile_overlayer_lowered:
.L_overlay_start_2:
0x46: {  	(tag) =	ssettag $0x2  }
0x47: {  	s0 =	rddreg [dreg:$0x0];
	s2 =	stileid.u32  }
0x48: {  	s1 =	rddreg [dreg:$0x1];
	p0 =	sne.s32 s2, $0x0  }
0x49: {  	s3 =	rddreg [dreg:$0x2];
	[bflag:$0x3] =	sbarrier.arrive $0xFFFF;
	s2 =	simm.s32 @!p0 $0x1C01  }
0x4a: {  	[timem:s3], [sflag:s2] =	dma.local @!p0 [hbm:s0], s1  }
0x4b: {  	s0 =	simm.s32 @!p0 $0x1  }
0x4c: {  	_ =	swait.ge @!p0 [sflag:s0], s1  }
0x4d: {  	s1 =	ssub.s32 @!p0 $0x0, s1;
	[sflag:s0] =	ssyncset.done @!p0 $0x0  }
0x4e: {  	[sflag:s0] =	ssyncadd.s32 @!p0 s1  }
0x4f: {  	[bflag:$0x3] =	sbarrier.arrive $0xFFFF  }
0x50: {  	_ =	shalt  }

</sc_bundles>
